<compile_context>
chip_gen: v7x
topology: tpu7x:2x2x1
jax: 0.10.2.dev20260603
libtpu: 0.0.44.dev20260713+nightly
codegen_flags: <defaults>
</compile_context>

<pallas_src>
import dataclasses
import functools

import jax
import jax.numpy as jnp
from jax import lax
from jax.experimental import pallas as pl
from jax.experimental.pallas import tpu as pltpu
from jax.experimental.pallas import tpu_sc as plsc

N = 10000
D = 128
E = 320000
NCORE = 2
NSUB = 16
NW = NCORE * NSUB
EPW = E // NW
NP = 10240
RPT = NP // NSUB

CA = 80
EPWA = E // NW
NCA = EPWA // CA

_mesh = plsc.VectorSubcoreMesh(core_axis_name="c", subcore_axis_name="s")

_sc_params = pltpu.CompilerParams()
if "needs_layout_passes" in pltpu.CompilerParams.__dataclass_fields__:
    _sc_params = dataclasses.replace(_sc_params, needs_layout_passes=False)


def _zero_fill(ref, rows, cols):
    z = jnp.zeros((16,), jnp.float32)

    @pl.loop(0, rows)
    def _(r):
        @pl.loop(0, cols, step=16)
        def _(j):
            ref[r, pl.ds(j, 16)] = z


@functools.partial(
    pl.kernel,
    mesh=_mesh,
    out_type=jax.ShapeDtypeStruct((NW * NP,), jnp.float32),
    compiler_params=_sc_params,
    scratch_types=[
        pltpu.VMEM((EPW,), jnp.int32),
        pltpu.VMEM((NP,), jnp.float32),
    ],
)
def _sc_degree(dst_hbm, out_hbm, dst_v, hist):
    cid = lax.axis_index("c")
    sid = lax.axis_index("s")
    wid = cid * NSUB + sid

    z = jnp.zeros((16,), jnp.float32)

    @pl.loop(0, NP, step=16)
    def _(j):
        hist[pl.ds(j, 16)] = z

    pltpu.sync_copy(dst_hbm.at[pl.ds(wid * EPW, EPW)], dst_v)

    one = jnp.ones((16,), jnp.float32)

    @pl.loop(0, EPW, step=16)
    def _(i):
        dv = dst_v[pl.ds(i, 16)]
        plsc.addupdate_scatter(hist, [dv], one)

    plsc.subcore_barrier()
    pltpu.sync_copy(hist, out_hbm.at[pl.ds(wid * NP, NP)])


@functools.partial(
    pl.kernel,
    mesh=_mesh,
    out_type=jax.ShapeDtypeStruct((NCORE, NP, D), jnp.float32),
    scratch_types=[
        pltpu.VMEM((CA,), jnp.int32),
        pltpu.VMEM((CA,), jnp.int32),
        pltpu.VMEM((CA, D), jnp.float32),
        pltpu.VMEM_SHARED((NP, D), jnp.float32),
        pltpu.SemaphoreType.DMA,
    ],
)
def _sc_aggregate(y_hbm, src_hbm, dst_hbm, out_hbm,
                  src_v, dst_v, rows_v, acc, sem):
    cid = lax.axis_index("c")
    sid = lax.axis_index("s")
    wid = cid * NSUB + sid

    _zero_fill(rows_v, CA, D)

    @pl.loop(0, RPT // CA)
    def _(k):
        pltpu.sync_copy(rows_v, acc.at[pl.ds(sid * RPT + k * CA, CA)])

    plsc.subcore_barrier()

    @pl.loop(0, NCA)
    def _(i):
        b = wid * EPWA + i * CA
        pltpu.sync_copy(src_hbm.at[pl.ds(b, CA)], src_v)
        pltpu.sync_copy(dst_hbm.at[pl.ds(b, CA)], dst_v)
        pltpu.async_copy(y_hbm.at[src_v], rows_v, sem).wait()
        pltpu.sync_copy(rows_v, acc.at[dst_v], add=True)

    plsc.subcore_barrier()
    pltpu.sync_copy(acc.at[pl.ds(sid * RPT, RPT)],
                    out_hbm.at[cid, pl.ds(sid * RPT, RPT)])


_BLK = 2000


def _tc_dis(degp):
    def body(d_ref, o_ref):
        deg = jnp.sum(d_ref[...], axis=0) + 1.0
        o_ref[...] = lax.rsqrt(deg)

    return pl.pallas_call(
        body,
        in_specs=[pl.BlockSpec((NW, NP // D, D), lambda: (0, 0, 0))],
        out_specs=pl.BlockSpec((NP // D, D), lambda: (0, 0)),
        out_shape=jax.ShapeDtypeStruct((NP // D, D), jnp.float32),
    )(degp)


def _tc_stage0(dis, x, W1):
    def body(dis_ref, x_ref, w_ref, o_ref):
        xw = jnp.dot(x_ref[...], w_ref[...], preferred_element_type=jnp.float32)
        o_ref[...] = xw * dis_ref[...]

    return pl.pallas_call(
        body,
        grid=(N // _BLK,),
        in_specs=[
            pl.BlockSpec((_BLK, 1), lambda i: (i, 0)),
            pl.BlockSpec((_BLK, D), lambda i: (i, 0)),
            pl.BlockSpec((D, D), lambda i: (0, 0)),
        ],
        out_specs=pl.BlockSpec((_BLK, D), lambda i: (i, 0)),
        out_shape=jax.ShapeDtypeStruct((N, D), jnp.float32),
    )(dis, x, W1)


def _tc_stage1(dis, agg, y1, b1r, W2):
    def body(dis_ref, a_ref, y_ref, b_ref, w_ref, o_ref):
        dis_b = dis_ref[...]
        h = dis_b * (a_ref[0] + a_ref[1] + y_ref[...]) + b_ref[...]
        h = jnp.maximum(h, 0.0)
        o_ref[...] = dis_b * jnp.dot(h, w_ref[...],
                                     preferred_element_type=jnp.float32)

    return pl.pallas_call(
        body,
        grid=(N // _BLK,),
        in_specs=[
            pl.BlockSpec((_BLK, 1), lambda i: (i, 0)),
            pl.BlockSpec((NCORE, _BLK, D), lambda i: (0, i, 0)),
            pl.BlockSpec((_BLK, D), lambda i: (i, 0)),
            pl.BlockSpec((1, D), lambda i: (0, 0)),
            pl.BlockSpec((D, D), lambda i: (0, 0)),
        ],
        out_specs=pl.BlockSpec((_BLK, D), lambda i: (i, 0)),
        out_shape=jax.ShapeDtypeStruct((N, D), jnp.float32),
    )(dis, agg, y1, b1r, W2)


def _tc_stage2(dis, agg, y2, b2r, fcWp, fcbr):
    def body(dis_ref, a_ref, y_ref, b_ref, w_ref, fb_ref, o_ref):
        h = dis_ref[...] * (a_ref[0] + a_ref[1] + y_ref[...]) + b_ref[...]
        o = jnp.dot(h, w_ref[...], preferred_element_type=jnp.float32)
        o = o + fb_ref[...]
        o_ref[...] = jnp.where(o >= 0.0, o, 0.01 * o)

    return pl.pallas_call(
        body,
        grid=(N // _BLK,),
        in_specs=[
            pl.BlockSpec((_BLK, 1), lambda i: (i, 0)),
            pl.BlockSpec((NCORE, _BLK, D), lambda i: (0, i, 0)),
            pl.BlockSpec((_BLK, D), lambda i: (i, 0)),
            pl.BlockSpec((1, D), lambda i: (0, 0)),
            pl.BlockSpec((D, D), lambda i: (0, 0)),
            pl.BlockSpec((1, D), lambda i: (0, 0)),
        ],
        out_specs=pl.BlockSpec((_BLK, D), lambda i: (i, 0)),
        out_shape=jax.ShapeDtypeStruct((N, D), jnp.float32),
    )(dis, agg, y2, b2r, fcWp, fcbr)


def kernel(x, edge_index, W1, b1, W2, b2, fc_W, fc_b):
    src = edge_index[0].astype(jnp.int32)
    dst = edge_index[1].astype(jnp.int32)
    b1r = b1.reshape(1, D)
    b2r = b2.reshape(1, D)
    fcWp = jnp.zeros((D, D), jnp.float32).at[:, :2].set(fc_W)
    fcbr = jnp.zeros((1, D), jnp.float32).at[0, :2].set(fc_b)


    degp = _sc_degree(dst).reshape(NW, NP // D, D)
    dis = _tc_dis(degp).reshape(NP, 1)[:N]

    y1 = _tc_stage0(dis, x, W1)
    agg1 = _sc_aggregate(y1, src, dst)[:, :N]
    y2 = _tc_stage1(dis, agg1, y1, b1r, W2)
    agg2 = _sc_aggregate(y2, src, dst)[:, :N]
    out = _tc_stage2(dis, agg2, y2, b2r, fcWp, fcbr)
    return out[:, :2]

# --- scband reference (transcript-rebuilt; emitter-appended) ---
"""Pipeline reference for scband-gcnregression-69183333204266 (READ-ONLY COPY).

The authoritative reference and input builder live on the scoring server;
editing this copy changes nothing except your own understanding.
"""

import jax, jax.numpy as jnp
import numpy as np

N_NODES = 10000
D_IN = 128
D_HID = 128
D_OUT = 128


def setup_inputs(seed: int = 0) -> dict:
    key = jax.random.key(seed)
    ks = jax.random.split(key, 10)
    x = jax.random.normal(ks[0], (N_NODES, D_IN), dtype=jnp.float32)
    edge_index = jax.random.randint(ks[1], (2, 320000), 0, N_NODES, dtype=jnp.int64)
    # GCNConv layer 1 params
    W1 = jax.random.normal(ks[2], (D_IN, D_HID), dtype=jnp.float32) * (1.0 / np.sqrt(D_IN))
    b1 = jnp.zeros((D_HID,), dtype=jnp.float32)
    # GCNConv layer 2 params
    W2 = jax.random.normal(ks[3], (D_HID, D_OUT), dtype=jnp.float32) * (1.0 / np.sqrt(D_HID))
    b2 = jnp.zeros((D_OUT,), dtype=jnp.float32)
    # final Linear(output_dim, 2)
    fc_W = jax.random.normal(ks[4], (D_OUT, 2), dtype=jnp.float32) * (1.0 / np.sqrt(D_OUT))
    fc_b = jnp.zeros((2,), dtype=jnp.float32)
    return {"x": x, "edge_index": edge_index, "W1": W1, "b1": b1, "W2": W2, "b2": b2, "fc_W": fc_W, "fc_b": fc_b}


def _gcn_conv(x, edge_index, W, b, n_nodes):
    # PyG GCNConv: add self-loops, symmetric normalization D^{-1/2}(A+I)D^{-1/2} X W + b
    loop = jnp.arange(n_nodes, dtype=edge_index.dtype)
    src = jnp.concatenate([edge_index[0], loop])
    dst = jnp.concatenate([edge_index[1], loop])
    deg = jnp.zeros((n_nodes,), dtype=x.dtype).at[dst].add(1.0)
    deg_inv_sqrt = jnp.where(deg > 0, 1.0 / jnp.sqrt(deg), 0.0)
    norm = deg_inv_sqrt[src] * deg_inv_sqrt[dst]
    xw = x @ W
    msg = xw[src] * norm[:, None]
    out = jnp.zeros((n_nodes, W.shape[1]), dtype=x.dtype).at[dst].add(msg)
    return out + b


def reference(x, edge_index, W1, b1, W2, b2, fc_W, fc_b):
    n_nodes = x.shape[0]
    h = _gcn_conv(x, edge_index, W1, b1, n_nodes)
    h = jax.nn.relu(h)
    # F.dropout(x, training=self.training) -> identity in eval mode
    h = _gcn_conv(h, edge_index, W2, b2, n_nodes)
    h = h @ fc_W + fc_b
    out = jnp.where(h >= 0, h, 0.01 * h)  # leaky_relu, default slope 0.01
    return out

if __name__ == "__main__":
    import jax
    _d = setup_inputs()
    print(jax.jit(kernel)(*tuple(_d.values())))

</pallas_src>

<mosaic_0001>
#map = affine_map<(d0, d1) -> (0, 0)>
#map1 = affine_map<(d0, d1) -> (0)>
#map2 = affine_map<(d0, d1) -> (0, 0, 0)>
module attributes {stable_mosaic.version = 14 : i64} {
  func.func @_sc_aggregate(%arg0: i32, %arg1: i32, %arg2: memref<10000x128xf32, #tpu.memory_space<hbm>>, %arg3: memref<320000xi32, #tpu.memory_space<hbm>>, %arg4: memref<320000xi32, #tpu.memory_space<hbm>>, %arg5: memref<2x10240x128xf32, #tpu.memory_space<hbm>>, %arg6: memref<80xi32, #tpu.memory_space<vmem>>, %arg7: memref<80xi32, #tpu.memory_space<vmem>>, %arg8: memref<80x128xf32, #tpu.memory_space<vmem>>, %arg9: memref<10240x128xf32, #tpu.memory_space<vmem_shared>>, %arg10: memref<!tpu.dma_semaphore, #tpu.memory_space<semaphore_mem>>) attributes {dimension_semantics = [#tpu.dimension_semantics<core_parallel>, #tpu.dimension_semantics<subcore_parallel>], iteration_bounds = array<i64: 2, 16>, scalar_prefetch = 0 : i64, scratch_operands = 5 : i64, tpu.core_type = #tpu.core_type<sc_vector_subcore>, window_params = [{transform_indices = #map}, {transform_indices = #map1}, {transform_indices = #map1}, {transform_indices = #map2}]} {
    %mul3A = arith.constant 16 : i32
    %mul3A_0 = arith.muli %arg0, %mul3A : i32
    %add3A = arith.addi %mul3A_0, %arg1 : i32
    %broadcast_in_dim3A = arith.constant 0.000000e+00 : f32
    %broadcast_in_dim3A_1 = vector.broadcast %broadcast_in_dim3A : f32 to vector<16xf32>
    %scan3A = arith.constant 0 : i32
    %scan3A_2 = arith.constant 80 : i32
    %scan3A_3 = arith.addi %scan3A, %scan3A_2 : i32
    %scan3A_4 = arith.constant 1 : i32
    scf.for %scan3A_21 = %scan3A to %scan3A_3 step %scan3A_4  : i32 {
      %mul3A_22 = arith.constant 1 : i32
      %mul3A_23 = arith.muli %scan3A_21, %mul3A_22 : i32
      %add3A_24 = arith.constant 0 : i32
      %add3A_25 = arith.addi %add3A_24, %mul3A_23 : i32
      %scan3A_26 = arith.constant 0 : i32
      %scan3A_27 = arith.constant 8 : i32
      %scan3A_28 = arith.addi %scan3A_26, %scan3A_27 : i32
      %scan3A_29 = arith.constant 1 : i32
      scf.for %scan3A_31 = %scan3A_26 to %scan3A_28 step %scan3A_29  : i32 {
        %mul3A_32 = arith.constant 16 : i32
        %mul3A_33 = arith.muli %scan3A_31, %mul3A_32 : i32
        %add3A_34 = arith.constant 0 : i32
        %add3A_35 = arith.addi %add3A_34, %mul3A_33 : i32
        %swap3A = arith.index_cast %add3A_25 : i32 to index
        %swap3A_36 = arith.index_cast %add3A_35 : i32 to index
        %swap3A_37 = tpu.vector_load %arg8[%swap3A, %swap3A_36] {strides = array<i32>} : memref<80x128xf32, #tpu.memory_space<vmem>>, vector<1x16xf32>,
        %swap3A_38 = vector.shape_cast %swap3A_37 : vector<1x16xf32> to vector<16xf32>
        %swap3A_39 = vector.shape_cast %broadcast_in_dim3A_1 : vector<16xf32> to vector<1x16xf32>
        tpu.vector_store %arg8[%swap3A, %swap3A_36], %swap3A_39 {strides = array<i32>} : memref<80x128xf32, #tpu.memory_space<vmem>>, vector<1x16xf32>,
      }
      %scan3A_30 = arith.constant 8 : i32
    }
    %scan3A_5 = arith.constant 80 : i32
    %scan3A_6 = arith.constant 0 : i32
    %scan3A_7 = arith.constant 8 : i32
    %scan3A_8 = arith.addi %scan3A_6, %scan3A_7 : i32
    %scan3A_9 = arith.constant 1 : i32
    scf.for %scan3A_21 = %scan3A_6 to %scan3A_8 step %scan3A_9  : i32 {
      %mul3A_22 = arith.constant 1 : i32
      %mul3A_23 = arith.muli %scan3A_21, %mul3A_22 : i32
      %add3A_24 = arith.constant 0 : i32
      %add3A_25 = arith.addi %add3A_24, %mul3A_23 : i32
      %mul3A_26 = arith.constant 640 : i32
      %mul3A_27 = arith.muli %arg1, %mul3A_26 : i32
      %mul3A_28 = arith.constant 80 : i32
      %mul3A_29 = arith.muli %add3A_25, %mul3A_28 : i32
      %add3A_30 = arith.addi %mul3A_27, %mul3A_29 : i32
      "tpu.region"() ({
        %run_scoped3A = tpu.sem_alloc : memref<!tpu.dma_semaphore, #tpu.memory_space<semaphore_mem>>
        %dma_start3A = arith.constant 0 : i32
        %dma_start3A_31 = tpu.memref_slice %arg9[%add3A_30, %dma_start3A] : memref<10240x128xf32, #tpu.memory_space<vmem_shared>> -> memref<80x128xf32, #tpu.memory_space<vmem_shared>>
        %dma_start3A_32 = arith.constant 0 : i32
        %dma_start3A_33 = tpu.memref_slice %arg9[%add3A_30, %dma_start3A_32] : memref<10240x128xf32, #tpu.memory_space<vmem_shared>> -> memref<80x128xf32, #tpu.memory_space<vmem_shared>>
        tpu.enqueue_dma source(%arg8 : memref<80x128xf32, #tpu.memory_space<vmem>>) target(%dma_start3A_33 : memref<80x128xf32, #tpu.memory_space<vmem_shared>>) target_semaphore(%run_scoped3A : memref<!tpu.dma_semaphore, #tpu.memory_space<semaphore_mem>>)
        %dma_wait3A = arith.constant 0 : i32
        %dma_wait3A_34 = tpu.memref_slice %arg9[%add3A_30, %dma_wait3A] : memref<10240x128xf32, #tpu.memory_space<vmem_shared>> -> memref<80x128xf32, #tpu.memory_space<vmem_shared>>
        %dma_wait3A_35 = arith.constant 0 : i32
        %dma_wait3A_36 = tpu.memref_slice %arg9[%add3A_30, %dma_wait3A_35] : memref<10240x128xf32, #tpu.memory_space<vmem_shared>> -> memref<80x128xf32, #tpu.memory_space<vmem_shared>>
        tpu.wait_dma2 semaphore(%run_scoped3A : memref<!tpu.dma_semaphore, #tpu.memory_space<semaphore_mem>>) src(%arg8 : memref<80x128xf32, #tpu.memory_space<vmem>>) dst(%dma_wait3A_36 : memref<80x128xf32, #tpu.memory_space<vmem_shared>>)
        tpu.yield
      }) : () -> ()
    }
    %scan3A_10 = arith.constant 8 : i32
    %barrier3A = arith.constant 0 : index
    tpu.barrier barrier_id(%barrier3A)
    %scan3A_11 = arith.constant 0 : i32
    %scan3A_12 = arith.constant 125 : i32
    %scan3A_13 = arith.addi %scan3A_11, %scan3A_12 : i32
    %scan3A_14 = arith.constant 1 : i32
    scf.for %scan3A_21 = %scan3A_11 to %scan3A_13 step %scan3A_14  : i32 {
      %mul3A_22 = arith.constant 1 : i32
      %mul3A_23 = arith.muli %scan3A_21, %mul3A_22 : i32
      %add3A_24 = arith.constant 0 : i32
      %add3A_25 = arith.addi %add3A_24, %mul3A_23 : i32
      %mul3A_26 = arith.constant 10000 : i32
      %mul3A_27 = arith.muli %add3A, %mul3A_26 : i32
      %mul3A_28 = arith.constant 80 : i32
      %mul3A_29 = arith.muli %add3A_25, %mul3A_28 : i32
      %add3A_30 = arith.addi %mul3A_27, %mul3A_29 : i32
      "tpu.region"() ({
        %run_scoped3A = tpu.sem_alloc : memref<!tpu.dma_semaphore, #tpu.memory_space<semaphore_mem>>
        %dma_start3A_35 = tpu.memref_slice %arg3[%add3A_30] : memref<320000xi32, #tpu.memory_space<hbm>> -> memref<80xi32, #tpu.memory_space<hbm>>
        %dma_start3A_36 = tpu.memref_slice %arg3[%add3A_30] : memref<320000xi32, #tpu.memory_space<hbm>> -> memref<80xi32, #tpu.memory_space<hbm>>
        tpu.enqueue_dma source(%dma_start3A_36 : memref<80xi32, #tpu.memory_space<hbm>>) target(%arg6 : memref<80xi32, #tpu.memory_space<vmem>>) target_semaphore(%run_scoped3A : memref<!tpu.dma_semaphore, #tpu.memory_space<semaphore_mem>>)
        %dma_wait3A_37 = tpu.memref_slice %arg3[%add3A_30] : memref<320000xi32, #tpu.memory_space<hbm>> -> memref<80xi32, #tpu.memory_space<hbm>>
        %dma_wait3A_38 = tpu.memref_slice %arg3[%add3A_30] : memref<320000xi32, #tpu.memory_space<hbm>> -> memref<80xi32, #tpu.memory_space<hbm>>
        tpu.wait_dma2 semaphore(%run_scoped3A : memref<!tpu.dma_semaphore, #tpu.memory_space<semaphore_mem>>) src(%dma_wait3A_38 : memref<80xi32, #tpu.memory_space<hbm>>) dst(%arg6 : memref<80xi32, #tpu.memory_space<vmem>>)
        tpu.yield
      }) : () -> ()
      "tpu.region"() ({
        %run_scoped3A = tpu.sem_alloc : memref<!tpu.dma_semaphore, #tpu.memory_space<semaphore_mem>>
        %dma_start3A_35 = tpu.memref_slice %arg4[%add3A_30] : memref<320000xi32, #tpu.memory_space<hbm>> -> memref<80xi32, #tpu.memory_space<hbm>>
        %dma_start3A_36 = tpu.memref_slice %arg4[%add3A_30] : memref<320000xi32, #tpu.memory_space<hbm>> -> memref<80xi32, #tpu.memory_space<hbm>>
        tpu.enqueue_dma source(%dma_start3A_36 : memref<80xi32, #tpu.memory_space<hbm>>) target(%arg7 : memref<80xi32, #tpu.memory_space<vmem>>) target_semaphore(%run_scoped3A : memref<!tpu.dma_semaphore, #tpu.memory_space<semaphore_mem>>)
        %dma_wait3A_37 = tpu.memref_slice %arg4[%add3A_30] : memref<320000xi32, #tpu.memory_space<hbm>> -> memref<80xi32, #tpu.memory_space<hbm>>
        %dma_wait3A_38 = tpu.memref_slice %arg4[%add3A_30] : memref<320000xi32, #tpu.memory_space<hbm>> -> memref<80xi32, #tpu.memory_space<hbm>>
        tpu.wait_dma2 semaphore(%run_scoped3A : memref<!tpu.dma_semaphore, #tpu.memory_space<semaphore_mem>>) src(%dma_wait3A_38 : memref<80xi32, #tpu.memory_space<hbm>>) dst(%arg7 : memref<80xi32, #tpu.memory_space<vmem>>)
        tpu.yield
      }) : () -> ()
      %dma_start3A = arith.constant 0 : i32
      %dma_start3A_31 = arith.constant 0 : i32
      %dma_start3A_32 = tpu.memref_slice %arg2[%dma_start3A, %dma_start3A_31] : memref<10000x128xf32, #tpu.memory_space<hbm>> -> memref<10000x128xf32, #tpu.memory_space<hbm>>
      tpu.enqueue_indirect_dma source(%dma_start3A_32 : memref<10000x128xf32, #tpu.memory_space<hbm>>) target(%arg8 : memref<80x128xf32, #tpu.memory_space<vmem>>) offsets(%arg6 : memref<80xi32, #tpu.memory_space<vmem>>) semaphore(%arg10 : memref<!tpu.dma_semaphore, #tpu.memory_space<semaphore_mem>>)
      %dma_wait3A = arith.constant 0 : i32
      %dma_wait3A_33 = arith.constant 0 : i32
      %dma_wait3A_34 = tpu.memref_slice %arg2[%dma_wait3A, %dma_wait3A_33] : memref<10000x128xf32, #tpu.memory_space<hbm>> -> memref<10000x128xf32, #tpu.memory_space<hbm>>
      tpu.wait_indirect_dma semaphore(%arg10 : memref<!tpu.dma_semaphore, #tpu.memory_space<semaphore_mem>>) src(%dma_wait3A_34 : memref<10000x128xf32, #tpu.memory_space<hbm>>) dst(%arg8 : memref<80x128xf32, #tpu.memory_space<vmem>>)
      "tpu.region"() ({
        %run_scoped3A = tpu.sem_alloc : memref<!tpu.dma_semaphore, #tpu.memory_space<semaphore_mem>>
        %dma_start3A_35 = arith.constant 0 : i32
        %dma_start3A_36 = arith.constant 0 : i32
        %dma_start3A_37 = tpu.memref_slice %arg9[%dma_start3A_35, %dma_start3A_36] : memref<10240x128xf32, #tpu.memory_space<vmem_shared>> -> memref<10240x128xf32, #tpu.memory_space<vmem_shared>>
        tpu.enqueue_indirect_dma source(%arg8 : memref<80x128xf32, #tpu.memory_space<vmem>>) target(%dma_start3A_37 : memref<10240x128xf32, #tpu.memory_space<vmem_shared>>) offsets(%arg7 : memref<80xi32, #tpu.memory_space<vmem>>) semaphore(%run_scoped3A : memref<!tpu.dma_semaphore, #tpu.memory_space<semaphore_mem>>) {add = true}
        %dma_wait3A_38 = arith.constant 0 : i32
        %dma_wait3A_39 = arith.constant 0 : i32
        %dma_wait3A_40 = tpu.memref_slice %arg9[%dma_wait3A_38, %dma_wait3A_39] : memref<10240x128xf32, #tpu.memory_space<vmem_shared>> -> memref<10240x128xf32, #tpu.memory_space<vmem_shared>>
        tpu.wait_indirect_dma semaphore(%run_scoped3A : memref<!tpu.dma_semaphore, #tpu.memory_space<semaphore_mem>>) src(%arg8 : memref<80x128xf32, #tpu.memory_space<vmem>>) dst(%dma_wait3A_40 : memref<10240x128xf32, #tpu.memory_space<vmem_shared>>)
        tpu.yield
      }) : () -> ()
    }
    %scan3A_15 = arith.constant 125 : i32
    %barrier3A_16 = arith.constant 0 : index
    tpu.barrier barrier_id(%barrier3A_16)
    %mul3A_17 = arith.constant 640 : i32
    %mul3A_18 = arith.muli %arg1, %mul3A_17 : i32
    %mul3A_19 = arith.constant 640 : i32
    %mul3A_20 = arith.muli %arg1, %mul3A_19 : i32
    "tpu.region"() ({
      %run_scoped3A = tpu.sem_alloc : memref<!tpu.dma_semaphore, #tpu.memory_space<semaphore_mem>>
      %dma_start3A = arith.constant 0 : i32
      %dma_start3A_21 = tpu.memref_slice %arg5[%arg0, %mul3A_20, %dma_start3A] : memref<2x10240x128xf32, #tpu.memory_space<hbm>> -> memref<1x640x128xf32, #tpu.memory_space<hbm>>
      %dma_start3A_22 = tpu.memref_squeeze %dma_start3A_21 : memref<1x640x128xf32, #tpu.memory_space<hbm>> -> memref<640x128xf32, #tpu.memory_space<hbm>>
      %dma_start3A_23 = arith.constant 0 : i32
      %dma_start3A_24 = tpu.memref_slice %arg9[%mul3A_18, %dma_start3A_23] : memref<10240x128xf32, #tpu.memory_space<vmem_shared>> -> memref<640x128xf32, #tpu.memory_space<vmem_shared>>
      tpu.enqueue_dma source(%dma_start3A_24 : memref<640x128xf32, #tpu.memory_space<vmem_shared>>) target(%dma_start3A_22 : memref<640x128xf32, #tpu.memory_space<hbm>>) target_semaphore(%run_scoped3A : memref<!tpu.dma_semaphore, #tpu.memory_space<semaphore_mem>>)
      %dma_wait3A = arith.constant 0 : i32
      %dma_wait3A_25 = tpu.memref_slice %arg5[%arg0, %mul3A_20, %dma_wait3A] : memref<2x10240x128xf32, #tpu.memory_space<hbm>> -> memref<1x640x128xf32, #tpu.memory_space<hbm>>
      %dma_wait3A_26 = tpu.memref_squeeze %dma_wait3A_25 : memref<1x640x128xf32, #tpu.memory_space<hbm>> -> memref<640x128xf32, #tpu.memory_space<hbm>>
      %dma_wait3A_27 = arith.constant 0 : i32
      %dma_wait3A_28 = tpu.memref_slice %arg9[%mul3A_18, %dma_wait3A_27] : memref<10240x128xf32, #tpu.memory_space<vmem_shared>> -> memref<640x128xf32, #tpu.memory_space<vmem_shared>>
      tpu.wait_dma2 semaphore(%run_scoped3A : memref<!tpu.dma_semaphore, #tpu.memory_space<semaphore_mem>>) src(%dma_wait3A_28 : memref<640x128xf32, #tpu.memory_space<vmem_shared>>) dst(%dma_wait3A_26 : memref<640x128xf32, #tpu.memory_space<hbm>>)
      tpu.yield
    }) : () -> ()
    return
  }
}

#map = affine_map<(d0, d1) -> (0, 0)>
#map1 = affine_map<(d0, d1) -> (0)>
#map2 = affine_map<(d0, d1) -> (0, 0, 0)>
module attributes {stable_mosaic.version = 14 : i64} {
  func.func @_sc_aggregate(%arg0: i32, %arg1: i32, %arg2: memref<10000x128xf32, #tpu.memory_space<hbm>>, %arg3: memref<320000xi32, #tpu.memory_space<hbm>>, %arg4: memref<320000xi32, #tpu.memory_space<hbm>>, %arg5: memref<2x10240x128xf32, #tpu.memory_space<hbm>>, %arg6: memref<80xi32, #tpu.memory_space<vmem>>, %arg7: memref<80xi32, #tpu.memory_space<vmem>>, %arg8: memref<80x128xf32, #tpu.memory_space<vmem>>, %arg9: memref<10240x128xf32, #tpu.memory_space<vmem_shared>>, %arg10: memref<!tpu.dma_semaphore, #tpu.memory_space<semaphore_mem>>) attributes {dimension_semantics = [#tpu.dimension_semantics<core_parallel>, #tpu.dimension_semantics<subcore_parallel>], iteration_bounds = array<i64: 2, 16>, scalar_prefetch = 0 : i64, scratch_operands = 5 : i64, tpu.core_type = #tpu.core_type<sc_vector_subcore>, window_params = [{transform_indices = #map}, {transform_indices = #map1}, {transform_indices = #map1}, {transform_indices = #map2}]} {
    %mul3A = arith.constant 16 : i32
    %mul3A_0 = arith.muli %arg0, %mul3A : i32
    %add3A = arith.addi %mul3A_0, %arg1 : i32
    %broadcast_in_dim3A = arith.constant 0.000000e+00 : f32
    %broadcast_in_dim3A_1 = vector.broadcast %broadcast_in_dim3A : f32 to vector<16xf32>
    %scan3A = arith.constant 0 : i32
    %scan3A_2 = arith.constant 80 : i32
    %scan3A_3 = arith.addi %scan3A, %scan3A_2 : i32
    %scan3A_4 = arith.constant 1 : i32
    scf.for %scan3A_21 = %scan3A to %scan3A_3 step %scan3A_4  : i32 {
      %mul3A_22 = arith.constant 1 : i32
      %mul3A_23 = arith.muli %scan3A_21, %mul3A_22 : i32
      %add3A_24 = arith.constant 0 : i32
      %add3A_25 = arith.addi %add3A_24, %mul3A_23 : i32
      %scan3A_26 = arith.constant 0 : i32
      %scan3A_27 = arith.constant 8 : i32
      %scan3A_28 = arith.addi %scan3A_26, %scan3A_27 : i32
      %scan3A_29 = arith.constant 1 : i32
      scf.for %scan3A_31 = %scan3A_26 to %scan3A_28 step %scan3A_29  : i32 {
        %mul3A_32 = arith.constant 16 : i32
        %mul3A_33 = arith.muli %scan3A_31, %mul3A_32 : i32
        %add3A_34 = arith.constant 0 : i32
        %add3A_35 = arith.addi %add3A_34, %mul3A_33 : i32
        %swap3A = arith.index_cast %add3A_25 : i32 to index
        %swap3A_36 = arith.index_cast %add3A_35 : i32 to index
        %swap3A_37 = tpu.vector_load %arg8[%swap3A, %swap3A_36] {strides = array<i32>} : memref<80x128xf32, #tpu.memory_space<vmem>>, vector<1x16xf32>,
        %swap3A_38 = vector.shape_cast %swap3A_37 : vector<1x16xf32> to vector<16xf32>
        %swap3A_39 = vector.shape_cast %broadcast_in_dim3A_1 : vector<16xf32> to vector<1x16xf32>
        tpu.vector_store %arg8[%swap3A, %swap3A_36], %swap3A_39 {strides = array<i32>} : memref<80x128xf32, #tpu.memory_space<vmem>>, vector<1x16xf32>,
      }
      %scan3A_30 = arith.constant 8 : i32
    }
    %scan3A_5 = arith.constant 80 : i32
    %scan3A_6 = arith.constant 0 : i32
    %scan3A_7 = arith.constant 8 : i32
    %scan3A_8 = arith.addi %scan3A_6, %scan3A_7 : i32
    %scan3A_9 = arith.constant 1 : i32
    scf.for %scan3A_21 = %scan3A_6 to %scan3A_8 step %scan3A_9  : i32 {
      %mul3A_22 = arith.constant 1 : i32
      %mul3A_23 = arith.muli %scan3A_21, %mul3A_22 : i32
      %add3A_24 = arith.constant 0 : i32
      %add3A_25 = arith.addi %add3A_24, %mul3A_23 : i32
      %mul3A_26 = arith.constant 640 : i32
      %mul3A_27 = arith.muli %arg1, %mul3A_26 : i32
      %mul3A_28 = arith.constant 80 : i32
      %mul3A_29 = arith.muli %add3A_25, %mul3A_28 : i32
      %add3A_30 = arith.addi %mul3A_27, %mul3A_29 : i32
      "tpu.region"() ({
        %run_scoped3A = tpu.sem_alloc : memref<!tpu.dma_semaphore, #tpu.memory_space<semaphore_mem>>
        %dma_start3A = arith.constant 0 : i32
        %dma_start3A_31 = tpu.memref_slice %arg9[%add3A_30, %dma_start3A] : memref<10240x128xf32, #tpu.memory_space<vmem_shared>> -> memref<80x128xf32, #tpu.memory_space<vmem_shared>>
        %dma_start3A_32 = arith.constant 0 : i32
        %dma_start3A_33 = tpu.memref_slice %arg9[%add3A_30, %dma_start3A_32] : memref<10240x128xf32, #tpu.memory_space<vmem_shared>> -> memref<80x128xf32, #tpu.memory_space<vmem_shared>>
        tpu.enqueue_dma source(%arg8 : memref<80x128xf32, #tpu.memory_space<vmem>>) target(%dma_start3A_33 : memref<80x128xf32, #tpu.memory_space<vmem_shared>>) target_semaphore(%run_scoped3A : memref<!tpu.dma_semaphore, #tpu.memory_space<semaphore_mem>>)
        %dma_wait3A = arith.constant 0 : i32
        %dma_wait3A_34 = tpu.memref_slice %arg9[%add3A_30, %dma_wait3A] : memref<10240x128xf32, #tpu.memory_space<vmem_shared>> -> memref<80x128xf32, #tpu.memory_space<vmem_shared>>
        %dma_wait3A_35 = arith.constant 0 : i32
        %dma_wait3A_36 = tpu.memref_slice %arg9[%add3A_30, %dma_wait3A_35] : memref<10240x128xf32, #tpu.memory_space<vmem_shared>> -> memref<80x128xf32, #tpu.memory_space<vmem_shared>>
        tpu.wait_dma2 semaphore(%run_scoped3A : memref<!tpu.dma_semaphore, #tpu.memory_space<semaphore_mem>>) src(%arg8 : memref<80x128xf32, #tpu.memory_space<vmem>>) dst(%dma_wait3A_36 : memref<80x128xf32, #tpu.memory_space<vmem_shared>>)
        tpu.yield
      }) : () -> ()
    }
    %scan3A_10 = arith.constant 8 : i32
    %barrier3A = arith.constant 0 : index
    tpu.barrier barrier_id(%barrier3A)
    %scan3A_11 = arith.constant 0 : i32
    %scan3A_12 = arith.constant 125 : i32
    %scan3A_13 = arith.addi %scan3A_11, %scan3A_12 : i32
    %scan3A_14 = arith.constant 1 : i32
    scf.for %scan3A_21 = %scan3A_11 to %scan3A_13 step %scan3A_14  : i32 {
      %mul3A_22 = arith.constant 1 : i32
      %mul3A_23 = arith.muli %scan3A_21, %mul3A_22 : i32
      %add3A_24 = arith.constant 0 : i32
      %add3A_25 = arith.addi %add3A_24, %mul3A_23 : i32
      %mul3A_26 = arith.constant 10000 : i32
      %mul3A_27 = arith.muli %add3A, %mul3A_26 : i32
      %mul3A_28 = arith.constant 80 : i32
      %mul3A_29 = arith.muli %add3A_25, %mul3A_28 : i32
      %add3A_30 = arith.addi %mul3A_27, %mul3A_29 : i32
      "tpu.region"() ({
        %run_scoped3A = tpu.sem_alloc : memref<!tpu.dma_semaphore, #tpu.memory_space<semaphore_mem>>
        %dma_start3A_35 = tpu.memref_slice %arg3[%add3A_30] : memref<320000xi32, #tpu.memory_space<hbm>> -> memref<80xi32, #tpu.memory_space<hbm>>
        %dma_start3A_36 = tpu.memref_slice %arg3[%add3A_30] : memref<320000xi32, #tpu.memory_space<hbm>> -> memref<80xi32, #tpu.memory_space<hbm>>
        tpu.enqueue_dma source(%dma_start3A_36 : memref<80xi32, #tpu.memory_space<hbm>>) target(%arg6 : memref<80xi32, #tpu.memory_space<vmem>>) target_semaphore(%run_scoped3A : memref<!tpu.dma_semaphore, #tpu.memory_space<semaphore_mem>>)
        %dma_wait3A_37 = tpu.memref_slice %arg3[%add3A_30] : memref<320000xi32, #tpu.memory_space<hbm>> -> memref<80xi32, #tpu.memory_space<hbm>>
        %dma_wait3A_38 = tpu.memref_slice %arg3[%add3A_30] : memref<320000xi32, #tpu.memory_space<hbm>> -> memref<80xi32, #tpu.memory_space<hbm>>
        tpu.wait_dma2 semaphore(%run_scoped3A : memref<!tpu.dma_semaphore, #tpu.memory_space<semaphore_mem>>) src(%dma_wait3A_38 : memref<80xi32, #tpu.memory_space<hbm>>) dst(%arg6 : memref<80xi32, #tpu.memory_space<vmem>>)
        tpu.yield
      }) : () -> ()
      "tpu.region"() ({
        %run_scoped3A = tpu.sem_alloc : memref<!tpu.dma_semaphore, #tpu.memory_space<semaphore_mem>>
        %dma_start3A_35 = tpu.memref_slice %arg4[%add3A_30] : memref<320000xi32, #tpu.memory_space<hbm>> -> memref<80xi32, #tpu.memory_space<hbm>>
        %dma_start3A_36 = tpu.memref_slice %arg4[%add3A_30] : memref<320000xi32, #tpu.memory_space<hbm>> -> memref<80xi32, #tpu.memory_space<hbm>>
        tpu.enqueue_dma source(%dma_start3A_36 : memref<80xi32, #tpu.memory_space<hbm>>) target(%arg7 : memref<80xi32, #tpu.memory_space<vmem>>) target_semaphore(%run_scoped3A : memref<!tpu.dma_semaphore, #tpu.memory_space<semaphore_mem>>)
        %dma_wait3A_37 = tpu.memref_slice %arg4[%add3A_30] : memref<320000xi32, #tpu.memory_space<hbm>> -> memref<80xi32, #tpu.memory_space<hbm>>
        %dma_wait3A_38 = tpu.memref_slice %arg4[%add3A_30] : memref<320000xi32, #tpu.memory_space<hbm>> -> memref<80xi32, #tpu.memory_space<hbm>>
        tpu.wait_dma2 semaphore(%run_scoped3A : memref<!tpu.dma_semaphore, #tpu.memory_space<semaphore_mem>>) src(%dma_wait3A_38 : memref<80xi32, #tpu.memory_space<hbm>>) dst(%arg7 : memref<80xi32, #tpu.memory_space<vmem>>)
        tpu.yield
      }) : () -> ()
      %dma_start3A = arith.constant 0 : i32
      %dma_start3A_31 = arith.constant 0 : i32
      %dma_start3A_32 = tpu.memref_slice %arg2[%dma_start3A, %dma_start3A_31] : memref<10000x128xf32, #tpu.memory_space<hbm>> -> memref<10000x128xf32, #tpu.memory_space<hbm>>
      tpu.enqueue_indirect_dma source(%dma_start3A_32 : memref<10000x128xf32, #tpu.memory_space<hbm>>) target(%arg8 : memref<80x128xf32, #tpu.memory_space<vmem>>) offsets(%arg6 : memref<80xi32, #tpu.memory_space<vmem>>) semaphore(%arg10 : memref<!tpu.dma_semaphore, #tpu.memory_space<semaphore_mem>>)
      %dma_wait3A = arith.constant 0 : i32
      %dma_wait3A_33 = arith.constant 0 : i32
      %dma_wait3A_34 = tpu.memref_slice %arg2[%dma_wait3A, %dma_wait3A_33] : memref<10000x128xf32, #tpu.memory_space<hbm>> -> memref<10000x128xf32, #tpu.memory_space<hbm>>
      tpu.wait_indirect_dma semaphore(%arg10 : memref<!tpu.dma_semaphore, #tpu.memory_space<semaphore_mem>>) src(%dma_wait3A_34 : memref<10000x128xf32, #tpu.memory_space<hbm>>) dst(%arg8 : memref<80x128xf32, #tpu.memory_space<vmem>>)
      "tpu.region"() ({
        %run_scoped3A = tpu.sem_alloc : memref<!tpu.dma_semaphore, #tpu.memory_space<semaphore_mem>>
        %dma_start3A_35 = arith.constant 0 : i32
        %dma_start3A_36 = arith.constant 0 : i32
        %dma_start3A_37 = tpu.memref_slice %arg9[%dma_start3A_35, %dma_start3A_36] : memref<10240x128xf32, #tpu.memory_space<vmem_shared>> -> memref<10240x128xf32, #tpu.memory_space<vmem_shared>>
        tpu.enqueue_indirect_dma source(%arg8 : memref<80x128xf32, #tpu.memory_space<vmem>>) target(%dma_start3A_37 : memref<10240x128xf32, #tpu.memory_space<vmem_shared>>) offsets(%arg7 : memref<80xi32, #tpu.memory_space<vmem>>) semaphore(%run_scoped3A : memref<!tpu.dma_semaphore, #tpu.memory_space<semaphore_mem>>) {add = true}
        %dma_wait3A_38 = arith.constant 0 : i32
        %dma_wait3A_39 = arith.constant 0 : i32
        %dma_wait3A_40 = tpu.memref_slice %arg9[%dma_wait3A_38, %dma_wait3A_39] : memref<10240x128xf32, #tpu.memory_space<vmem_shared>> -> memref<10240x128xf32, #tpu.memory_space<vmem_shared>>
        tpu.wait_indirect_dma semaphore(%run_scoped3A : memref<!tpu.dma_semaphore, #tpu.memory_space<semaphore_mem>>) src(%arg8 : memref<80x128xf32, #tpu.memory_space<vmem>>) dst(%dma_wait3A_40 : memref<10240x128xf32, #tpu.memory_space<vmem_shared>>)
        tpu.yield
      }) : () -> ()
    }
    %scan3A_15 = arith.constant 125 : i32
    %barrier3A_16 = arith.constant 0 : index
    tpu.barrier barrier_id(%barrier3A_16)
    %mul3A_17 = arith.constant 640 : i32
    %mul3A_18 = arith.muli %arg1, %mul3A_17 : i32
    %mul3A_19 = arith.constant 640 : i32
    %mul3A_20 = arith.muli %arg1, %mul3A_19 : i32
    "tpu.region"() ({
      %run_scoped3A = tpu.sem_alloc : memref<!tpu.dma_semaphore, #tpu.memory_space<semaphore_mem>>
      %dma_start3A = arith.constant 0 : i32
      %dma_start3A_21 = tpu.memref_slice %arg5[%arg0, %mul3A_20, %dma_start3A] : memref<2x10240x128xf32, #tpu.memory_space<hbm>> -> memref<1x640x128xf32, #tpu.memory_space<hbm>>
      %dma_start3A_22 = tpu.memref_squeeze %dma_start3A_21 : memref<1x640x128xf32, #tpu.memory_space<hbm>> -> memref<640x128xf32, #tpu.memory_space<hbm>>
      %dma_start3A_23 = arith.constant 0 : i32
      %dma_start3A_24 = tpu.memref_slice %arg9[%mul3A_18, %dma_start3A_23] : memref<10240x128xf32, #tpu.memory_space<vmem_shared>> -> memref<640x128xf32, #tpu.memory_space<vmem_shared>>
      tpu.enqueue_dma source(%dma_start3A_24 : memref<640x128xf32, #tpu.memory_space<vmem_shared>>) target(%dma_start3A_22 : memref<640x128xf32, #tpu.memory_space<hbm>>) target_semaphore(%run_scoped3A : memref<!tpu.dma_semaphore, #tpu.memory_space<semaphore_mem>>)
      %dma_wait3A = arith.constant 0 : i32
      %dma_wait3A_25 = tpu.memref_slice %arg5[%arg0, %mul3A_20, %dma_wait3A] : memref<2x10240x128xf32, #tpu.memory_space<hbm>> -> memref<1x640x128xf32, #tpu.memory_space<hbm>>
      %dma_wait3A_26 = tpu.memref_squeeze %dma_wait3A_25 : memref<1x640x128xf32, #tpu.memory_space<hbm>> -> memref<640x128xf32, #tpu.memory_space<hbm>>
      %dma_wait3A_27 = arith.constant 0 : i32
      %dma_wait3A_28 = tpu.memref_slice %arg9[%mul3A_18, %dma_wait3A_27] : memref<10240x128xf32, #tpu.memory_space<vmem_shared>> -> memref<640x128xf32, #tpu.memory_space<vmem_shared>>
      tpu.wait_dma2 semaphore(%run_scoped3A : memref<!tpu.dma_semaphore, #tpu.memory_space<semaphore_mem>>) src(%dma_wait3A_28 : memref<640x128xf32, #tpu.memory_space<vmem_shared>>) dst(%dma_wait3A_26 : memref<640x128xf32, #tpu.memory_space<hbm>>)
      tpu.yield
    }) : () -> ()
    return
  }
}

#map = affine_map<(d0, d1) -> (0)>
module attributes {stable_mosaic.version = 14 : i64} {
  func.func @_sc_degree(%arg0: i32, %arg1: i32, %arg2: memref<320000xi32, #tpu.memory_space<hbm>>, %arg3: memref<327680xf32, #tpu.memory_space<hbm>>, %arg4: memref<10000xi32, #tpu.memory_space<vmem>>, %arg5: memref<10240xf32, #tpu.memory_space<vmem>>) attributes {dimension_semantics = [#tpu.dimension_semantics<core_parallel>, #tpu.dimension_semantics<subcore_parallel>], iteration_bounds = array<i64: 2, 16>, scalar_prefetch = 0 : i64, scratch_operands = 2 : i64, tpu.core_type = #tpu.core_type<sc_vector_subcore>, window_params = [{transform_indices = #map}, {transform_indices = #map}]} {
    %mul3A = arith.constant 16 : i32
    %mul3A_0 = arith.muli %arg0, %mul3A : i32
    %add3A = arith.addi %mul3A_0, %arg1 : i32
    %broadcast_in_dim3A = arith.constant 0.000000e+00 : f32
    %broadcast_in_dim3A_1 = vector.broadcast %broadcast_in_dim3A : f32 to vector<16xf32>
    %scan3A = arith.constant 0 : i32
    %scan3A_2 = arith.constant 640 : i32
    %scan3A_3 = arith.addi %scan3A, %scan3A_2 : i32
    %scan3A_4 = arith.constant 1 : i32
    scf.for %scan3A_17 = %scan3A to %scan3A_3 step %scan3A_4  : i32 {
      %mul3A_18 = arith.constant 16 : i32
      %mul3A_19 = arith.muli %scan3A_17, %mul3A_18 : i32
      %add3A_20 = arith.constant 0 : i32
      %add3A_21 = arith.addi %add3A_20, %mul3A_19 : i32
      %swap3A = arith.index_cast %add3A_21 : i32 to index
      %swap3A_22 = tpu.vector_load %arg5[%swap3A] {strides = array<i32>} : memref<10240xf32, #tpu.memory_space<vmem>>, vector<16xf32>,
      tpu.vector_store %arg5[%swap3A], %broadcast_in_dim3A_1 {strides = array<i32>} : memref<10240xf32, #tpu.memory_space<vmem>>, vector<16xf32>,
    }
    %scan3A_5 = arith.constant 640 : i32
    %mul3A_6 = arith.constant 10000 : i32
    %mul3A_7 = arith.muli %add3A, %mul3A_6 : i32
    "tpu.region"() ({
      %run_scoped3A = tpu.sem_alloc : memref<!tpu.dma_semaphore, #tpu.memory_space<semaphore_mem>>
      %dma_start3A = tpu.memref_slice %arg2[%mul3A_7] : memref<320000xi32, #tpu.memory_space<hbm>> -> memref<10000xi32, #tpu.memory_space<hbm>>
      %dma_start3A_17 = tpu.memref_slice %arg2[%mul3A_7] : memref<320000xi32, #tpu.memory_space<hbm>> -> memref<10000xi32, #tpu.memory_space<hbm>>
      tpu.enqueue_dma source(%dma_start3A_17 : memref<10000xi32, #tpu.memory_space<hbm>>) target(%arg4 : memref<10000xi32, #tpu.memory_space<vmem>>) target_semaphore(%run_scoped3A : memref<!tpu.dma_semaphore, #tpu.memory_space<semaphore_mem>>)
      %dma_wait3A = tpu.memref_slice %arg2[%mul3A_7] : memref<320000xi32, #tpu.memory_space<hbm>> -> memref<10000xi32, #tpu.memory_space<hbm>>
      %dma_wait3A_18 = tpu.memref_slice %arg2[%mul3A_7] : memref<320000xi32, #tpu.memory_space<hbm>> -> memref<10000xi32, #tpu.memory_space<hbm>>
      tpu.wait_dma2 semaphore(%run_scoped3A : memref<!tpu.dma_semaphore, #tpu.memory_space<semaphore_mem>>) src(%dma_wait3A_18 : memref<10000xi32, #tpu.memory_space<hbm>>) dst(%arg4 : memref<10000xi32, #tpu.memory_space<vmem>>)
      tpu.yield
    }) : () -> ()
    %broadcast_in_dim3A_8 = arith.constant 1.000000e+00 : f32
    %broadcast_in_dim3A_9 = vector.broadcast %broadcast_in_dim3A_8 : f32 to vector<16xf32>
    %scan3A_10 = arith.constant 0 : i32
    %scan3A_11 = arith.constant 625 : i32
    %scan3A_12 = arith.addi %scan3A_10, %scan3A_11 : i32
    %scan3A_13 = arith.constant 1 : i32
    scf.for %scan3A_17 = %scan3A_10 to %scan3A_12 step %scan3A_13  : i32 {
      %mul3A_18 = arith.constant 16 : i32
      %mul3A_19 = arith.muli %scan3A_17, %mul3A_18 : i32
      %add3A_20 = arith.constant 0 : i32
      %add3A_21 = arith.addi %add3A_20, %mul3A_19 : i32
      %get3A = arith.index_cast %add3A_21 : i32 to index
      %get3A_22 = tpu.vector_load %arg4[%get3A] {strides = array<i32>} : memref<10000xi32, #tpu.memory_space<vmem>>, vector<16xi32>,
      tpu.vector_store_idx %arg5[%get3A_22], %broadcast_in_dim3A_9 {add = true} : memref<10240xf32, #tpu.memory_space<vmem>>[vector<16xi32>], vector<16xf32>,
    }
    %scan3A_14 = arith.constant 625 : i32
    %barrier3A = arith.constant 0 : index
    tpu.barrier barrier_id(%barrier3A)
    %mul3A_15 = arith.constant 10240 : i32
    %mul3A_16 = arith.muli %add3A, %mul3A_15 : i32
    "tpu.region"() ({
      %run_scoped3A = tpu.sem_alloc : memref<!tpu.dma_semaphore, #tpu.memory_space<semaphore_mem>>
      %dma_start3A = tpu.memref_slice %arg3[%mul3A_16] : memref<327680xf32, #tpu.memory_space<hbm>> -> memref<10240xf32, #tpu.memory_space<hbm>>
      %dma_start3A_17 = tpu.memref_slice %arg3[%mul3A_16] : memref<327680xf32, #tpu.memory_space<hbm>> -> memref<10240xf32, #tpu.memory_space<hbm>>
      tpu.enqueue_dma source(%arg5 : memref<10240xf32, #tpu.memory_space<vmem>>) target(%dma_start3A_17 : memref<10240xf32, #tpu.memory_space<hbm>>) target_semaphore(%run_scoped3A : memref<!tpu.dma_semaphore, #tpu.memory_space<semaphore_mem>>)
      %dma_wait3A = tpu.memref_slice %arg3[%mul3A_16] : memref<327680xf32, #tpu.memory_space<hbm>> -> memref<10240xf32, #tpu.memory_space<hbm>>
      %dma_wait3A_18 = tpu.memref_slice %arg3[%mul3A_16] : memref<327680xf32, #tpu.memory_space<hbm>> -> memref<10240xf32, #tpu.memory_space<hbm>>
      tpu.wait_dma2 semaphore(%run_scoped3A : memref<!tpu.dma_semaphore, #tpu.memory_space<semaphore_mem>>) src(%arg5 : memref<10240xf32, #tpu.memory_space<vmem>>) dst(%dma_wait3A_18 : memref<10240xf32, #tpu.memory_space<hbm>>)
      tpu.yield
    }) : () -> ()
    return
  }
}

module attributes {stable_mosaic.version = 14 : i64} {
  func.func @body(%arg0: memref<32x80x128xf32, #tpu.memory_space<vmem>>, %arg1: memref<80x128xf32, #tpu.memory_space<vmem>>) attributes {dimension_semantics = [], scalar_prefetch = 0 : i64, scratch_operands = 0 : i64, tpu.core_type = #tpu.core_type<tc>} {
    %get3A = arith.constant 0 : index
    %get3A_0 = arith.constant 0 : index
    %get3A_1 = arith.constant 0 : index
    %get3A_2 = vector.load %arg0[%get3A, %get3A_0, %get3A_1] : memref<32x80x128xf32, #tpu.memory_space<vmem>>, vector<32x80x128xf32>
    %reduce_sum3A = arith.constant dense<0.000000e+00> : vector<80x128xf32>
    %reduce_sum3A_3 = vector.multi_reduction <add>, %get3A_2, %reduce_sum3A [0] : vector<32x80x128xf32> to vector<80x128xf32>
    %add3A = arith.constant 1.000000e+00 : f32
    %add3A_4 = vector.broadcast %add3A : f32 to vector<80x128xf32>
    %add3A_5 = arith.addf %reduce_sum3A_3, %add3A_4 : vector<80x128xf32>
    %rsqrt3A = math.rsqrt %add3A_5 : vector<80x128xf32>
    %swap3A = arith.constant 0 : index
    %swap3A_6 = arith.constant 0 : index
    %swap3A_7 = vector.load %arg1[%swap3A, %swap3A_6] : memref<80x128xf32, #tpu.memory_space<vmem>>, vector<80x128xf32>
    tpu.vector_store %arg1[%swap3A, %swap3A_6], %rsqrt3A {strides = array<i32>} : memref<80x128xf32, #tpu.memory_space<vmem>>, vector<80x128xf32>,
    return
  }
}

module attributes {stable_mosaic.version = 14 : i64} {
  func.func @body(%arg0: i32, %arg1: memref<2000x1xf32, #tpu.memory_space<vmem>>, %arg2: memref<2000x128xf32, #tpu.memory_space<vmem>>, %arg3: memref<128x128xf32, #tpu.memory_space<vmem>>, %arg4: memref<2000x128xf32, #tpu.memory_space<vmem>>) attributes {dimension_semantics = [#tpu.dimension_semantics<arbitrary>], iteration_bounds = array<i64: 5>, scalar_prefetch = 0 : i64, scratch_operands = 0 : i64, tpu.core_type = #tpu.core_type<tc>, window_params = [{transform_indices = @transform_0, window_bounds = array<i64: 2000, 1>}, {transform_indices = @transform_1, window_bounds = array<i64: 2000, 128>}, {pipeline_mode = #tpu.pipeline_mode<synchronous>, transform_indices = @transform_2, window_bounds = array<i64: 128, 128>}, {transform_indices = @transform_3, window_bounds = array<i64: 2000, 128>}]} {
    %get3A = arith.constant 0 : index
    %get3A_0 = arith.constant 0 : index
    %get3A_1 = vector.load %arg2[%get3A, %get3A_0] : memref<2000x128xf32, #tpu.memory_space<vmem>>, vector<2000x128xf32>
    %get3A_2 = arith.constant 0 : index
    %get3A_3 = arith.constant 0 : index
    %get3A_4 = vector.load %arg3[%get3A_2, %get3A_3] : memref<128x128xf32, #tpu.memory_space<vmem>>, vector<128x128xf32>
    %dot_general3A = arith.constant dense<0.000000e+00> : vector<2000x128xf32>
    %dot_general3A_5 = tpu.matmul %get3A_1, %get3A_4, %dot_general3A {dimension_numbers = #tpu.dot_dimension_numbers<[1], [0], [0], [1], [0, 0, 1, 1], [], []>, transpose_lhs_hint = false} : vector<2000x128xf32>, vector<128x128xf32>, vector<2000x128xf32> -> vector<2000x128xf32>
    %get3A_6 = arith.constant 0 : index
    %get3A_7 = arith.constant 0 : index
    %get3A_8 = vector.load %arg1[%get3A_6, %get3A_7] : memref<2000x1xf32, #tpu.memory_space<vmem>>, vector<2000x1xf32>
    %mul3A = vector.broadcast %get3A_8 : vector<2000x1xf32> to vector<2000x128xf32>
    %mul3A_9 = arith.mulf %dot_general3A_5, %mul3A : vector<2000x128xf32>
    %swap3A = arith.constant 0 : index
    %swap3A_10 = arith.constant 0 : index
    %swap3A_11 = vector.load %arg4[%swap3A, %swap3A_10] : memref<2000x128xf32, #tpu.memory_space<vmem>>, vector<2000x128xf32>
    tpu.vector_store %arg4[%swap3A, %swap3A_10], %mul3A_9 {strides = array<i32>} : memref<2000x128xf32, #tpu.memory_space<vmem>>, vector<2000x128xf32>,
    return
  }
  func.func @transform_0(%arg0: i32) -> (i32, i32) {
    %c0_i32 = arith.constant 0 : i32
    %c0_i32_0 = arith.constant 0 : i32
    return %arg0, %c0_i32 : i32, i32
  }
  func.func @transform_1(%arg0: i32) -> (i32, i32) {
    %c0_i32 = arith.constant 0 : i32
    %c0_i32_0 = arith.constant 0 : i32
    return %arg0, %c0_i32 : i32, i32
  }
  func.func @transform_2(%arg0: i32) -> (i32, i32) {
    %c0_i32 = arith.constant 0 : i32
    %c0_i32_0 = arith.constant 0 : i32
    %c0_i32_1 = arith.constant 0 : i32
    return %c0_i32, %c0_i32_0 : i32, i32
  }
  func.func @transform_3(%arg0: i32) -> (i32, i32) {
    %c0_i32 = arith.constant 0 : i32
    %c0_i32_0 = arith.constant 0 : i32
    return %arg0, %c0_i32 : i32, i32
  }
}

module attributes {stable_mosaic.version = 14 : i64} {
  func.func @body(%arg0: i32, %arg1: memref<2000x1xf32, #tpu.memory_space<vmem>>, %arg2: memref<2x2000x128xf32, #tpu.memory_space<vmem>>, %arg3: memref<2000x128xf32, #tpu.memory_space<vmem>>, %arg4: memref<1x128xf32, #tpu.memory_space<vmem>>, %arg5: memref<128x128xf32, #tpu.memory_space<vmem>>, %arg6: memref<2000x128xf32, #tpu.memory_space<vmem>>) attributes {dimension_semantics = [#tpu.dimension_semantics<arbitrary>], iteration_bounds = array<i64: 5>, scalar_prefetch = 0 : i64, scratch_operands = 0 : i64, tpu.core_type = #tpu.core_type<tc>, window_params = [{transform_indices = @transform_0, window_bounds = array<i64: 2000, 1>}, {transform_indices = @transform_1, window_bounds = array<i64: 2, 2000, 128>}, {transform_indices = @transform_2, window_bounds = array<i64: 2000, 128>}, {pipeline_mode = #tpu.pipeline_mode<synchronous>, transform_indices = @transform_3, window_bounds = array<i64: 1, 128>}, {pipeline_mode = #tpu.pipeline_mode<synchronous>, transform_indices = @transform_4, window_bounds = array<i64: 128, 128>}, {transform_indices = @transform_5, window_bounds = array<i64: 2000, 128>}]} {
    %get3A = arith.constant 0 : index
    %get3A_0 = arith.constant 0 : index
    %get3A_1 = vector.load %arg1[%get3A, %get3A_0] : memref<2000x1xf32, #tpu.memory_space<vmem>>, vector<2000x1xf32>
    %get3A_2 = arith.constant 0 : index
    %get3A_3 = arith.constant 0 : index
    %get3A_4 = arith.constant 0 : index
    %get3A_5 = vector.load %arg2[%get3A_2, %get3A_3, %get3A_4] : memref<2x2000x128xf32, #tpu.memory_space<vmem>>, vector<1x2000x128xf32>
    %get3A_6 = vector.shape_cast %get3A_5 : vector<1x2000x128xf32> to vector<2000x128xf32>
    %get3A_7 = arith.constant 1 : index
    %get3A_8 = arith.constant 0 : index
    %get3A_9 = arith.constant 0 : index
    %get3A_10 = vector.load %arg2[%get3A_7, %get3A_8, %get3A_9] : memref<2x2000x128xf32, #tpu.memory_space<vmem>>, vector<1x2000x128xf32>
    %get3A_11 = vector.shape_cast %get3A_10 : vector<1x2000x128xf32> to vector<2000x128xf32>
    %add3A = arith.addf %get3A_6, %get3A_11 : vector<2000x128xf32>
    %get3A_12 = arith.constant 0 : index
    %get3A_13 = arith.constant 0 : index
    %get3A_14 = vector.load %arg3[%get3A_12, %get3A_13] : memref<2000x128xf32, #tpu.memory_space<vmem>>, vector<2000x128xf32>
    %add3A_15 = arith.addf %add3A, %get3A_14 : vector<2000x128xf32>
    %mul3A = vector.broadcast %get3A_1 : vector<2000x1xf32> to vector<2000x128xf32>
    %mul3A_16 = arith.mulf %mul3A, %add3A_15 : vector<2000x128xf32>
    %get3A_17 = arith.constant 0 : index
    %get3A_18 = arith.constant 0 : index
    %get3A_19 = vector.load %arg4[%get3A_17, %get3A_18] : memref<1x128xf32, #tpu.memory_space<vmem>>, vector<1x128xf32>
    %add3A_20 = vector.broadcast %get3A_19 : vector<1x128xf32> to vector<2000x128xf32>
    %add3A_21 = arith.addf %mul3A_16, %add3A_20 : vector<2000x128xf32>
    %max3A = arith.constant 0.000000e+00 : f32
    %max3A_22 = vector.broadcast %max3A : f32 to vector<2000x128xf32>
    %max3A_23 = arith.maximumf %add3A_21, %max3A_22 : vector<2000x128xf32>
    %get3A_24 = arith.constant 0 : index
    %get3A_25 = arith.constant 0 : index
    %get3A_26 = vector.load %arg5[%get3A_24, %get3A_25] : memref<128x128xf32, #tpu.memory_space<vmem>>, vector<128x128xf32>
    %dot_general3A = arith.constant dense<0.000000e+00> : vector<2000x128xf32>
    %dot_general3A_27 = tpu.matmul %max3A_23, %get3A_26, %dot_general3A {dimension_numbers = #tpu.dot_dimension_numbers<[1], [0], [0], [1], [0, 0, 1, 1], [], []>, transpose_lhs_hint = false} : vector<2000x128xf32>, vector<128x128xf32>, vector<2000x128xf32> -> vector<2000x128xf32>
    %mul3A_28 = vector.broadcast %get3A_1 : vector<2000x1xf32> to vector<2000x128xf32>
    %mul3A_29 = arith.mulf %mul3A_28, %dot_general3A_27 : vector<2000x128xf32>
    %swap3A = arith.constant 0 : index
    %swap3A_30 = arith.constant 0 : index
    %swap3A_31 = vector.load %arg6[%swap3A, %swap3A_30] : memref<2000x128xf32, #tpu.memory_space<vmem>>, vector<2000x128xf32>
    tpu.vector_store %arg6[%swap3A, %swap3A_30], %mul3A_29 {strides = array<i32>} : memref<2000x128xf32, #tpu.memory_space<vmem>>, vector<2000x128xf32>,
    return
  }
  func.func @transform_0(%arg0: i32) -> (i32, i32) {
    %c0_i32 = arith.constant 0 : i32
    %c0_i32_0 = arith.constant 0 : i32
    return %arg0, %c0_i32 : i32, i32
  }
  func.func @transform_1(%arg0: i32) -> (i32, i32, i32) {
    %c0_i32 = arith.constant 0 : i32
    %c0_i32_0 = arith.constant 0 : i32
    %c0_i32_1 = arith.constant 0 : i32
    return %c0_i32, %arg0, %c0_i32_0 : i32, i32, i32
  }
  func.func @transform_2(%arg0: i32) -> (i32, i32) {
    %c0_i32 = arith.constant 0 : i32
    %c0_i32_0 = arith.constant 0 : i32
    return %arg0, %c0_i32 : i32, i32
  }
  func.func @transform_3(%arg0: i32) -> (i32, i32) {
    %c0_i32 = arith.constant 0 : i32
    %c0_i32_0 = arith.constant 0 : i32
    %c0_i32_1 = arith.constant 0 : i32
    return %c0_i32, %c0_i32_0 : i32, i32
  }
  func.func @transform_4(%arg0: i32) -> (i32, i32) {
    %c0_i32 = arith.constant 0 : i32
    %c0_i32_0 = arith.constant 0 : i32
    %c0_i32_1 = arith.constant 0 : i32
    return %c0_i32, %c0_i32_0 : i32, i32
  }
  func.func @transform_5(%arg0: i32) -> (i32, i32) {
    %c0_i32 = arith.constant 0 : i32
    %c0_i32_0 = arith.constant 0 : i32
    return %arg0, %c0_i32 : i32, i32
  }
}

module attributes {stable_mosaic.version = 14 : i64} {
  func.func @body(%arg0: i32, %arg1: memref<2000x1xf32, #tpu.memory_space<vmem>>, %arg2: memref<2x2000x128xf32, #tpu.memory_space<vmem>>, %arg3: memref<2000x128xf32, #tpu.memory_space<vmem>>, %arg4: memref<1x128xf32, #tpu.memory_space<vmem>>, %arg5: memref<128x128xf32, #tpu.memory_space<vmem>>, %arg6: memref<1x128xf32, #tpu.memory_space<vmem>>, %arg7: memref<2000x128xf32, #tpu.memory_space<vmem>>) attributes {dimension_semantics = [#tpu.dimension_semantics<arbitrary>], iteration_bounds = array<i64: 5>, scalar_prefetch = 0 : i64, scratch_operands = 0 : i64, tpu.core_type = #tpu.core_type<tc>, window_params = [{transform_indices = @transform_0, window_bounds = array<i64: 2000, 1>}, {transform_indices = @transform_1, window_bounds = array<i64: 2, 2000, 128>}, {transform_indices = @transform_2, window_bounds = array<i64: 2000, 128>}, {pipeline_mode = #tpu.pipeline_mode<synchronous>, transform_indices = @transform_3, window_bounds = array<i64: 1, 128>}, {pipeline_mode = #tpu.pipeline_mode<synchronous>, transform_indices = @transform_4, window_bounds = array<i64: 128, 128>}, {pipeline_mode = #tpu.pipeline_mode<synchronous>, transform_indices = @transform_5, window_bounds = array<i64: 1, 128>}, {transform_indices = @transform_6, window_bounds = array<i64: 2000, 128>}]} {
    %get3A = arith.constant 0 : index
    %get3A_0 = arith.constant 0 : index
    %get3A_1 = vector.load %arg1[%get3A, %get3A_0] : memref<2000x1xf32, #tpu.memory_space<vmem>>, vector<2000x1xf32>
    %get3A_2 = arith.constant 0 : index
    %get3A_3 = arith.constant 0 : index
    %get3A_4 = arith.constant 0 : index
    %get3A_5 = vector.load %arg2[%get3A_2, %get3A_3, %get3A_4] : memref<2x2000x128xf32, #tpu.memory_space<vmem>>, vector<1x2000x128xf32>
    %get3A_6 = vector.shape_cast %get3A_5 : vector<1x2000x128xf32> to vector<2000x128xf32>
    %get3A_7 = arith.constant 1 : index
    %get3A_8 = arith.constant 0 : index
    %get3A_9 = arith.constant 0 : index
    %get3A_10 = vector.load %arg2[%get3A_7, %get3A_8, %get3A_9] : memref<2x2000x128xf32, #tpu.memory_space<vmem>>, vector<1x2000x128xf32>
    %get3A_11 = vector.shape_cast %get3A_10 : vector<1x2000x128xf32> to vector<2000x128xf32>
    %add3A = arith.addf %get3A_6, %get3A_11 : vector<2000x128xf32>
    %get3A_12 = arith.constant 0 : index
    %get3A_13 = arith.constant 0 : index
    %get3A_14 = vector.load %arg3[%get3A_12, %get3A_13] : memref<2000x128xf32, #tpu.memory_space<vmem>>, vector<2000x128xf32>
    %add3A_15 = arith.addf %add3A, %get3A_14 : vector<2000x128xf32>
    %mul3A = vector.broadcast %get3A_1 : vector<2000x1xf32> to vector<2000x128xf32>
    %mul3A_16 = arith.mulf %mul3A, %add3A_15 : vector<2000x128xf32>
    %get3A_17 = arith.constant 0 : index
    %get3A_18 = arith.constant 0 : index
    %get3A_19 = vector.load %arg4[%get3A_17, %get3A_18] : memref<1x128xf32, #tpu.memory_space<vmem>>, vector<1x128xf32>
    %add3A_20 = vector.broadcast %get3A_19 : vector<1x128xf32> to vector<2000x128xf32>
    %add3A_21 = arith.addf %mul3A_16, %add3A_20 : vector<2000x128xf32>
    %get3A_22 = arith.constant 0 : index
    %get3A_23 = arith.constant 0 : index
    %get3A_24 = vector.load %arg5[%get3A_22, %get3A_23] : memref<128x128xf32, #tpu.memory_space<vmem>>, vector<128x128xf32>
    %dot_general3A = arith.constant dense<0.000000e+00> : vector<2000x128xf32>
    %dot_general3A_25 = tpu.matmul %add3A_21, %get3A_24, %dot_general3A {dimension_numbers = #tpu.dot_dimension_numbers<[1], [0], [0], [1], [0, 0, 1, 1], [], []>, transpose_lhs_hint = false} : vector<2000x128xf32>, vector<128x128xf32>, vector<2000x128xf32> -> vector<2000x128xf32>
    %get3A_26 = arith.constant 0 : index
    %get3A_27 = arith.constant 0 : index
    %get3A_28 = vector.load %arg6[%get3A_26, %get3A_27] : memref<1x128xf32, #tpu.memory_space<vmem>>, vector<1x128xf32>
    %add3A_29 = vector.broadcast %get3A_28 : vector<1x128xf32> to vector<2000x128xf32>
    %add3A_30 = arith.addf %dot_general3A_25, %add3A_29 : vector<2000x128xf32>
    %ge3A = arith.constant 0.000000e+00 : f32
    %ge3A_31 = vector.broadcast %ge3A : f32 to vector<2000x128xf32>
    %ge3A_32 = arith.cmpf oge, %add3A_30, %ge3A_31 : vector<2000x128xf32>
    %mul3A_33 = arith.constant 0.00999999977 : f32
    %mul3A_34 = vector.broadcast %mul3A_33 : f32 to vector<2000x128xf32>
    %mul3A_35 = arith.mulf %mul3A_34, %add3A_30 : vector<2000x128xf32>
    %select_n3A = arith.select %ge3A_32, %add3A_30, %mul3A_35 : vector<2000x128xi1>, vector<2000x128xf32>
    %swap3A = arith.constant 0 : index
    %swap3A_36 = arith.constant 0 : index
    %swap3A_37 = vector.load %arg7[%swap3A, %swap3A_36] : memref<2000x128xf32, #tpu.memory_space<vmem>>, vector<2000x128xf32>
    tpu.vector_store %arg7[%swap3A, %swap3A_36], %select_n3A {strides = array<i32>} : memref<2000x128xf32, #tpu.memory_space<vmem>>, vector<2000x128xf32>,
    return
  }
  func.func @transform_0(%arg0: i32) -> (i32, i32) {
    %c0_i32 = arith.constant 0 : i32
    %c0_i32_0 = arith.constant 0 : i32
    return %arg0, %c0_i32 : i32, i32
  }
  func.func @transform_1(%arg0: i32) -> (i32, i32, i32) {
    %c0_i32 = arith.constant 0 : i32
    %c0_i32_0 = arith.constant 0 : i32
    %c0_i32_1 = arith.constant 0 : i32
    return %c0_i32, %arg0, %c0_i32_0 : i32, i32, i32
  }
  func.func @transform_2(%arg0: i32) -> (i32, i32) {
    %c0_i32 = arith.constant 0 : i32
    %c0_i32_0 = arith.constant 0 : i32
    return %arg0, %c0_i32 : i32, i32
  }
  func.func @transform_3(%arg0: i32) -> (i32, i32) {
    %c0_i32 = arith.constant 0 : i32
    %c0_i32_0 = arith.constant 0 : i32
    %c0_i32_1 = arith.constant 0 : i32
    return %c0_i32, %c0_i32_0 : i32, i32
  }
  func.func @transform_4(%arg0: i32) -> (i32, i32) {
    %c0_i32 = arith.constant 0 : i32
    %c0_i32_0 = arith.constant 0 : i32
    %c0_i32_1 = arith.constant 0 : i32
    return %c0_i32, %c0_i32_0 : i32, i32
  }
  func.func @transform_5(%arg0: i32) -> (i32, i32) {
    %c0_i32 = arith.constant 0 : i32
    %c0_i32_0 = arith.constant 0 : i32
    %c0_i32_1 = arith.constant 0 : i32
    return %c0_i32, %c0_i32_0 : i32, i32
  }
  func.func @transform_6(%arg0: i32) -> (i32, i32) {
    %c0_i32 = arith.constant 0 : i32
    %c0_i32_0 = arith.constant 0 : i32
    return %arg0, %c0_i32 : i32, i32
  }
}

</mosaic_0001>

<sc_bundles>
// kernel: kernel.12.cloned.1.call-start
scs
__scs_entry_jumppad:
0x0: {  	(pc) =	sbr.rel $0x88, $3  }
0x1: {  	(tag) =	ssettag $0x0;
	lr =	simm.s32 $0x1  }
0x2: {  	[smem:$0x3F99] =	sst lr;
	_ =	strace $0xD0000000  }
0x3: {  	_ = 	snop  }
0x4: {  	_ = 	snop  }
0x5: {  	_ = 	snop  }
0x6: {  	_ = 	snop  }
0x7: {  	_ = 	snop  }
__scs_overlays_trampoline_lowered:
0x8: {  	[smem:$0x3FA8] =	sst s0  }
0x9: {  	[smem:$0x3FA9] =	sst s1  }
0xa: {  	[smem:$0x3FAA] =	sst s2  }
0xb: {  	[smem:$0x3FAB] =	sst s3  }
0xc: {  	[smem:$0x3FAC] =	sst s4  }
0xd: {  	[smem:$0x3FAD] =	sst s5  }
0xe: {  	[smem:$0x3FAE] =	sst s6  }
0xf: {  	[smem:$0x3FAF] =	sst s7  }
0x10: {  	[smem:$0x3FB0] =	sst s8  }
0x11: {  	[smem:$0x3FB1] =	sst s9;
	s0 =	simm.s32 @!p0 $0x0  }
0x12: {  	s1 =	sld [smem:$0x3F97];
	s0 =	simm.s32 @p0 $0x1  }
0x13: {  	[smem:$0x3FB2] =	sst s0;
	s0 =	simm.s32 @!p1 $0x0  }
0x14: {  	s2 =	sld [smem:$0x3F96];
	s0 =	simm.s32 @p1 $0x1  }
0x15: {  	[smem:$0x3FB3] =	sst s0;
	s0 =	simm.s32 @!p2 $0x0  }
0x16: {  	s3 =	sld [smem:$0x3FDB];
	s0 =	simm.s32 @p2 $0x1  }
0x17: {  	s4 =	simm.s32 $0x1BF5;
	[smem:$0x3FB5] =	sst s0  }
0x18: {  	s0 =	sld [smem:$0x3F98];
	_ =	swait.ge [sflag:s4], $0x0  }
0x19: {  	s7 =	sld [smem:$0x3F99]  }
0x1a: {  	s8 =	sadd.s32 $0xFFFFE003, lr  }
0x1b: {  	s9 =	sadd.s32 $0xFFFFFEF7, lr;
	s5 =	simm.s32 $0xFFFFFFFF;
	p2 =	slt.u32 s8, $0xFFFFF086  }
0x1c: {  	p1 =	slt.u32 s9, $0xF7A;
	s5 =	simm.s32 @!p2 $0x0  }
0x1d: {  	s5 =	simm.s32 @p1 $0x1;
	p0 =	seq.s32 s7, s2  }
0x1e: {  	s7 =	smul.u32 @!p0 $0xF7A, s2;
	p2 =	seq.s32 @!p0 s5, $0x0  }
0x1f: {  	s9 =	smul.u32 $0xF7A, s1;
	s8 =	simm.s32 @!p0 $0x1BF5;
	p2 =	por !p2, p0  }
0x20: {  	[sflag:s8] =	ssyncset.s32 @!p0 $0xFFFFF086;
	s6 =	sadd.s32 @!p0 s3, s7;
	s7 =	simm.s32 @!p0 $0x108  }
0x21: {  	s3 =	sadd.s32 s3, s9;
	s6 =	sadd.s32 @!p0 $0x88, s6;
	s7 =	simm.s32 @p2 $0x1082  }
0x22: {  	[simem:s7], [sflag:s8] =	dma.local @!p0 [hbm:s6], $0xF7A  }
0x23: {  	s9 =	sor.u32 $0xD0000000, s2;
	s6 =	simm.s32 $0x108;
	_ =	swait.ge @!p0 [sflag:s8], $0x0  }
0x24: {  	s3 =	sadd.s32 $0x88, s3;
	s6 =	simm.s32 @!p1 $0x1082;
	[sflag:s4] =	ssyncset.s32 $0xFFFFF086  }
0x25: {  	[simem:s6], [sflag:s4] =	dma.local [hbm:s3], $0xF7A  }
0x26: {  	[smem:$0x3F99] =	sst s1;
	(tag) =	ssettag s2;
	_ =	strace s9  }
0x27: {  	s1 =	sld [smem:$0x3FA9]  }
0x28: {  	s2 =	sld [smem:$0x3FAA]  }
0x29: {  	s4 =	sld [smem:$0x3FAC]  }
0x2a: {  	p0 =	seq.s32 s5, $0x0;
	s5 =	sld [smem:$0x3FAD]  }
0x2b: {  	s6 =	sld [smem:$0x3FAE]  }
0x2c: {  	s7 =	sld [smem:$0x3FAF]  }
0x2d: {  	s3 =	simm.s32 $0x108;
	s8 =	sld [smem:$0x3FB0]  }
0x2e: {  	s3 =	simm.s32 @!p0 $0x1082;
	s9 =	sld [smem:$0x3FB1]  }
0x2f: {  	lr =	sadd.s32 s0, s3;
	s0 =	sld [smem:$0x3FA8]  }
0x30: {  	s3 =	sld [smem:$0x3FAB]  }
0x31: {  	[smem:$0x3FB4] =	sst s10  }
0x32: {  	s10 =	sld [smem:$0x3FB2];
	_ =	sdelay $0x3  }
0x33: {  	p0 =	seq.s32 s10, $0x1;
	s10 =	sld [smem:$0x3FB4];
	_ =	sdelay $0x3  }
0x34: {  	[smem:$0x3FB4] =	sst s10  }
0x35: {  	s10 =	sld [smem:$0x3FB3];
	_ =	sdelay $0x3  }
0x36: {  	p1 =	seq.s32 s10, $0x1;
	s10 =	sld [smem:$0x3FB4];
	_ =	sdelay $0x3  }
0x37: {  	[smem:$0x3FB4] =	sst s10  }
0x38: {  	s10 =	sld [smem:$0x3FB5]  }
0x39: {  	_ = 	snop;
	(pc) =	sbr.ind lr, $3  }
0x3a: {  	_ = 	snop  }
0x3b: {  	_ = 	snop  }
0x3c: {  	p2 =	seq.s32 s10, $0x1;
	s10 =	sld [smem:$0x3FB4]  }
0x3d: {  	_ =	shalt  }
0x3e: {  	_ =	shalt  }
0x3f: {  	_ =	shalt  }
0x40: {  	_ =	shalt  }
0x41: {  	_ =	shalt  }
0x42: {  	_ =	shalt  }
0x43: {  	_ =	shalt  }
0x44: {  	_ =	shalt  }
0x45: {  	_ =	shalt  }
0x46: {  	_ =	shalt  }
0x47: {  	_ =	shalt  }
0x48: {  	_ =	shalt  }
0x49: {  	_ =	shalt  }
0x4a: {  	_ =	shalt  }
0x4b: {  	_ =	shalt  }
0x4c: {  	_ =	shalt  }
0x4d: {  	_ =	shalt  }
0x4e: {  	_ =	shalt  }
0x4f: {  	_ =	shalt  }
0x50: {  	_ =	shalt  }
0x51: {  	_ =	shalt  }
0x52: {  	_ =	shalt  }
0x53: {  	_ =	shalt  }
0x54: {  	_ =	shalt  }
0x55: {  	_ =	shalt  }
0x56: {  	_ =	shalt  }
0x57: {  	_ =	shalt  }
0x58: {  	_ =	shalt  }
0x59: {  	_ =	shalt  }
0x5a: {  	_ =	shalt  }
0x5b: {  	_ =	shalt  }
0x5c: {  	_ =	shalt  }
0x5d: {  	_ =	shalt  }
0x5e: {  	_ =	shalt  }
0x5f: {  	_ =	shalt  }
0x60: {  	_ =	shalt  }
0x61: {  	_ =	shalt  }
0x62: {  	_ =	shalt  }
0x63: {  	_ =	shalt  }
0x64: {  	_ =	shalt  }
0x65: {  	_ =	shalt  }
0x66: {  	_ =	shalt  }
0x67: {  	_ =	shalt  }
0x68: {  	_ =	shalt  }
0x69: {  	_ =	shalt  }
0x6a: {  	_ =	shalt  }
0x6b: {  	_ =	shalt  }
0x6c: {  	_ =	shalt  }
0x6d: {  	_ =	shalt  }
0x6e: {  	_ =	shalt  }
0x6f: {  	_ =	shalt  }
0x70: {  	_ =	shalt  }
0x71: {  	_ =	shalt  }
0x72: {  	_ =	shalt  }
0x73: {  	_ =	shalt  }
0x74: {  	_ =	shalt  }
0x75: {  	_ =	shalt  }
0x76: {  	_ =	shalt  }
0x77: {  	_ =	shalt  }
0x78: {  	_ =	shalt  }
0x79: {  	_ =	shalt  }
0x7a: {  	_ =	shalt  }
0x7b: {  	_ =	shalt  }
0x7c: {  	_ =	shalt  }
0x7d: {  	_ =	shalt  }
0x7e: {  	_ =	shalt  }
0x7f: {  	_ =	shalt  }
0x80: {  	_ =	shalt  }
0x81: {  	_ =	shalt  }
0x82: {  	_ =	shalt  }
0x83: {  	_ =	shalt  }
0x84: {  	_ =	shalt  }
0x85: {  	_ =	shalt  }
0x86: {  	_ =	shalt  }
0x87: {  	_ =	shalt  }
.Lfunc_end0:
.L_simem_size_0:
called_computation.1_lowered:
.L_overlay_start_0:
0x88: {  	s2 =	sld [smem:$0x3FD9]  }
0x89: {  	s3 =	sld [smem:$0x3FFE];
	_ =	sdelay $0x1  }
0x8a: {  	s1 =	srdreg.scid  }
0x8b: {  	s0 =	sand.u32 $0x1, s1  }
0x8c: {  	s16 =	sshll.u32 s0, $0xA;
	s2 =	sadd.s32 s3, s2  }
0x8d: {  	s2 =	sadd.s32 s2, s16  }
0x8e: {  	[smem:$0x3FC0] =	sst s2  }
0x8f: {  	_ = 	snop  }
0x90: {  	(tm) =	ssettm $0x1  }
0x91: {  	s17 =	sld [smem:$0x3FFB];
	_ =	sdelay $0x3  }
0x92: {  	_ =	strace s17  }
0x93: {  	s2 =	sld [smem:$0x3FFC];
	_ =	sdelay $0x3  }
0x94: {  	_ =	strace s2  }
0x95: {  	s2 =	sld [smem:$0x3FFD];
	_ =	sdelay $0x3  }
0x96: {  	_ =	strace s2  }
0x97: {  	_ =	strace $0x8FFFFFFF  }
0x98: {  	s18 =	sld [smem:$0x3FDB];
	_ =	sdelay $0x1  }
0x99: {  	s19 =	simm.s32 $_scs_section_size  }
0x9a: {  	s4 =	simm.s32 $_size__tile_overlayer_lowered;
	s5 =	simm.s32 $_tile_overlayer_lowered  }
0x9b: {  	s22 =	simm.s32 $0x1BFF;
	s21 =	sshll.u32 s5, $0x1;
	s2 =	sadd.s32 s19, s18  }
0x9c: {  	s6 =	simm.s32 $0x0;
	s20 =	sshll.u32 s4, $0x1;
	s4 =	sadd.s32 s21, s2  }
0x9d: {  	[timem:s6], [sflag:s22] =	dma.local [hbm:s4], s20  }
0x9e: {  	_ =	swait.ge [sflag:s22], s20  }
0x9f: {  	s3 =	ssub.s32 $0x0, s20;
	[sflag:s22] =	ssyncset.done $0x0  }
0xa0: {  	[sflag:s22] =	ssyncadd.s32 s3;
	_ =	sdelay $0x1  }
0xa1: {  	s23 =	simm.s32 $0x1B8B  }
0xa2: {  	_ =	swait.ge [sflag:s23], $0x1  }
0xa3: {  	[sflag:s23] =	ssyncset.done $0x0  }
0xa4: {  	s25 =	simm.s32 $0x1B8E;
	s24 =	sld [smem:$0x3FFE];
	[sflag:s23] =	ssyncadd.s32 $0xFFFFFFFF  }
0xa5: {  	s26 =	simm.s32 $execute0_lowered;
	[smem:$0x3FD2] =	sst s25  }
0xa6: {  	s4 =	sshll.u32 s26, $0x1;
	_ =	strace $0x80000049;
	[dreg:$0x1] =	wrdreg $0xFFFFFFFF  }
0xa7: {  	s28 =	simm.s32 $_size_execute0_lowered;
	s2 =	sadd.s32 s2, s4;
	[dreg:$0x0] =	wrdreg $0x0  }
0xa8: {  	s4 =	sshll.u32 s28, $0x1;
	[dreg:$0x2] =	wrdreg s2  }
0xa9: {  	[dreg:$0x3] =	wrdreg s4  }
0xaa: {  	[dreg:$0x4] =	wrdreg $0xC0  }
0xab: {  	_ =	task [dreg:s6], $0x5FFFF  }
0xac: {  	[dreg:$0x1] =	wrdreg $0xFFFFFFFF  }
0xad: {  	[dreg:$0x0] =	wrdreg $0x60  }
0xae: {  	[dreg:$0x2] =	wrdreg s24  }
0xaf: {  	[dreg:$0x3] =	wrdreg $0x29000  }
0xb0: {  	[dreg:$0x4] =	wrdreg $0x9  }
0xb1: {  	_ =	task.clear_ibuf [dreg:s6], $0x5FFFF;
	_ =	strace $0x90000049  }
0xb2: {  	s29 =	simm.s32 $0x9;
	_ =	strace $0x8000004B  }
0xb3: {  	_ =	swait.ge [sflag:s29], $0x1  }
0xb4: {  	[sflag:s29] =	ssyncadd.s32 $0xFFFFFFFF  }
0xb5: {  	_ =	strace $0x9000004B  }
0xb6: {  	_ =	sfence  }
0xb7: {  	s30 =	sld [smem:$0x0];
	_ =	sdelay $0x2  }
0xb8: {  	s31 =	sshll.u32 s1, $0xD;
	s1 =	sshrl.u32 s1, $0x2  }
0xb9: {  	s3 =	sand.u32 $0x4000, s31;
	s1 =	sadd.s32 s1, s30  }
0xba: {  	s0 =	sor.u32 s3, s0;
	s1 =	sshll.u32 s1, $0x11  }
0xbb: {  	s0 =	sor.u32 s1, s0  }
0xbc: {  	s0 =	sadd.s32 $0x8F2B, s0  }
0xbd: {  	[sflag:s0] =	ssyncadd.remote.s32 $0x1  }
0xbe: {  	_ =	sfence.sel $0xFFFF  }
0xbf: {  	[dreg:$0x0] =	wrdreg $0xFFFFFFFF;
	(pc) =	sbr.abs _section_cstart, $3  }
0xc0: {  	[dreg:$0x1] =	wrdreg $0xFFFFFFFF  }
0xc1: {  	_ =	task.clear_ibuf [dreg:s6], $0x2FFFF;
	_ =	strace $0x9FFFFFFF  }
0xc2: {  	(tm) =	ssettm $0x7FFFFFFF  }
0xc3: {  	_ =	shalt  }
tec
execute0_lowered:
.L_overlay_start_1:
0x0: {  	(tag) =	ssettag $0x1  }
0x1: {  	s5 =	rddreg [dreg:$0x0]  }
0x2: {  	s2 =	rddreg [dreg:$0x1]  }
0x3: {  	s0 =	srdreg.scid;
	s1 =	rddreg [dreg:$0x2]  }
0x4: {  	s3 =	simm.s32 $0x0;
	s17 =	simm.s32 $0x100;
	s6 =	sand.u32 $0x1, s0  }
0x5: {  	s18 =	simm.s32 $0x2;
	s0 =	stileid.u32;
	s4 =	smul.u32 $0x27100, s6  }
0x6: {  	s19 =	simm.s32 $0x80;
	s20 =	simm.s32 $0x50;
	s7 =	smul.u32 $0x2710, s0  }
0x7: {  	s21 =	simm.s32 $0x1;
	s22 =	simm.s32 $0x0;
	s8 =	smul.u32 $0x140000, s6  }
0x8: {  	[smem:$0x7FF] =	sst s3;
	s9 =	smul.u32 $0x14000, s0;
	s6 =	ssub.s32 $0x2, s6  }
0x9: {  	_ =	strace $0x8000004A;
	s26 =	smul.u32 $0x50000, s0;
	s29 =	sshrl.u32 s6, $0x1  }
0xa: {  	s7 =	sadd.s32 s7, s4;
	s4 =	sadd.s32 $0x16400, s5;
	s8 =	sadd.s32 s9, s8  }
0xb: {  	s30 =	ssub.s32 s6, s29;
	s31 =	sshrl.u32 s26, $0x2;
	s7 =	sshrl.u32 s7, $0x3  }
0xc: {  	s28 =	sshrl.u32 s8, $0x3;
	s6 =	sadd.s32 s31, s2;
	s16 =	sadd.s32 s7, s5  }
0xd: {  	s5 =	sadd.s32 s28, s5;
	s7 =	smax.u32 s30, $0x1;
	s8 =	sadd.s32 $0x2800, s6  }
0xe: {  	s9 =	sadd.s32 $0x5000, s6;
	s10 =	sadd.s32 $0x7800, s6;
	s11 =	sadd.s32 $0xA000, s6  }
0xf: {  	s12 =	sadd.s32 $0xC800, s6;
	s13 =	sadd.s32 $0xF000, s6;
	s14 =	sadd.s32 $0x11800, s6  }
0x10: {  	v0 =	vimm.f32 $0.0e+00;
	s5 =	sadd.s32 $0x3D600, s5;
	s15 =	sadd.s32 $0xC600, s16;
	s16 =	sadd.s32 $0x2800, s16  }
.LBB2_1:
0x11: {  	s23 =	simm.s32 $0x70;
	s24 =	simm.s32 $0x3C0  }
.LBB2_2:
0x12: {  	p0 =	sne.s32 s24, $0x9FC0;
	[tilespmem:s23+$0x100] =	vst v0  }
0x13: {  	[tilespmem:s23+$0x90] =	vst v0  }
0x14: {  	[tilespmem:s23+$0xA0] =	vst v0  }
.Ltmp0:
0x15: {  	[tilespmem:s23+$0xB0] =	vst v0;
	(pc) =	sbr.rel @p0 .LBB2_2-.Ltmp0, $4  }
0x16: {  	[tilespmem:s23+$0xC0] =	vst v0  }
0x17: {  	[tilespmem:s23+$0xD0] =	vst v0  }
0x18: {  	[tilespmem:s23+$0xE0] =	vst v0  }
0x19: {  	[tilespmem:s23+$0xF0] =	vst v0;
	s23 =	sshra.s32 s24, $0x2;
	s24 =	sadd.s32 $0x200, s24  }
0x1a: {  	[tilespmem:s23+$0x100] =	vst v0  }
0x1b: {  	[tilespmem:s23+$0x90] =	vst v0  }
0x1c: {  	[tilespmem:s23+$0xA0] =	vst v0  }
0x1d: {  	[tilespmem:s23+$0xB0] =	vst v0  }
0x1e: {  	[tilespmem:s23+$0xC0] =	vst v0  }
0x1f: {  	[tilespmem:s23+$0xD0] =	vst v0  }
0x20: {  	[tilespmem:s23+$0xE0] =	vst v0  }
0x21: {  	[tilespmem:s23+$0xF0] =	vst v0  }
0x22: {  	[spmem:s6] =	stream.linear.scatter [tilespmem:s17], [sflag:$0x2], $0x2800, $0x38;
	[tilespmem:$0x16900] =	vst v63  }
0x23: {  	_ =	swait.ge [sflag:s18], $0x2800  }
0x24: {  	[sflag:s18] =	ssyncset.done $0x0  }
0x25: {  	[sflag:s18] =	ssyncadd.s32 $0xFFFFD800  }
0x26: {  	[spmem:s8] =	stream.linear.scatter [tilespmem:s17], [sflag:$0x2], $0x2800, $0x38;
	[tilespmem:$0x16900] =	vst v63  }
0x27: {  	_ =	swait.ge [sflag:s18], $0x2800  }
0x28: {  	[sflag:s18] =	ssyncset.done $0x0  }
0x29: {  	[sflag:s18] =	ssyncadd.s32 $0xFFFFD800  }
0x2a: {  	[spmem:s9] =	stream.linear.scatter [tilespmem:s17], [sflag:$0x2], $0x2800, $0x38;
	[tilespmem:$0x16900] =	vst v63  }
0x2b: {  	_ =	swait.ge [sflag:s18], $0x2800  }
0x2c: {  	[sflag:s18] =	ssyncset.done $0x0  }
0x2d: {  	[sflag:s18] =	ssyncadd.s32 $0xFFFFD800  }
0x2e: {  	[spmem:s10] =	stream.linear.scatter [tilespmem:s17], [sflag:$0x2], $0x2800, $0x38;
	[tilespmem:$0x16900] =	vst v63  }
0x2f: {  	_ =	swait.ge [sflag:s18], $0x2800  }
0x30: {  	[sflag:s18] =	ssyncset.done $0x0  }
0x31: {  	[sflag:s18] =	ssyncadd.s32 $0xFFFFD800  }
0x32: {  	[spmem:s11] =	stream.linear.scatter [tilespmem:s17], [sflag:$0x2], $0x2800, $0x38;
	[tilespmem:$0x16900] =	vst v63  }
0x33: {  	_ =	swait.ge [sflag:s18], $0x2800  }
0x34: {  	[sflag:s18] =	ssyncset.done $0x0  }
0x35: {  	[sflag:s18] =	ssyncadd.s32 $0xFFFFD800  }
0x36: {  	[spmem:s12] =	stream.linear.scatter [tilespmem:s17], [sflag:$0x2], $0x2800, $0x38;
	[tilespmem:$0x16900] =	vst v63  }
0x37: {  	_ =	swait.ge [sflag:s18], $0x2800  }
0x38: {  	[sflag:s18] =	ssyncset.done $0x0  }
0x39: {  	[sflag:s18] =	ssyncadd.s32 $0xFFFFD800  }
0x3a: {  	[spmem:s13] =	stream.linear.scatter [tilespmem:s17], [sflag:$0x2], $0x2800, $0x38;
	[tilespmem:$0x16900] =	vst v63  }
0x3b: {  	_ =	swait.ge [sflag:s18], $0x2800  }
0x3c: {  	[sflag:s18] =	ssyncset.done $0x0  }
0x3d: {  	[sflag:s18] =	ssyncadd.s32 $0xFFFFD800  }
0x3e: {  	[spmem:s14] =	stream.linear.scatter [tilespmem:s17], [sflag:$0x2], $0x2800, $0x38;
	[tilespmem:$0x16900] =	vst v63  }
0x3f: {  	_ =	swait.ge [sflag:s18], $0x2800  }
0x40: {  	[sflag:s18] =	ssyncset.done $0x0  }
0x41: {  	[sflag:s18] =	ssyncadd.s32 $0xFFFFD800  }
0x42: {  	s30 =	sadd.s32 $0x0, s16;
	[bflag:$0x0] =	sbarrier.arrive $0xFFFF  }
0x43: {  	[tilespmem:s3], [sflag:$0x2] =	stream.linear.gather [hbm4b:s30+s3], $0x50, $0x38;
	[tilespmem:$0x16900] =	vst v63  }
0x44: {  	_ =	swait.ge [sflag:s18], $0x50  }
0x45: {  	[sflag:s18] =	ssyncset.done $0x0  }
0x46: {  	s31 =	sadd.s32 $0x0, s15;
	[sflag:s18] =	ssyncadd.s32 $0xFFFFFFB0  }
0x47: {  	[tilespmem:s19], [sflag:$0x2] =	stream.linear.gather [hbm4b:s31+s3], $0x50, $0x38;
	[tilespmem:$0x16900] =	vst v63  }
0x48: {  	_ =	swait.ge [sflag:s18], $0x50  }
0x49: {  	[sflag:s18] =	ssyncset.done $0x0  }
0x4a: {  	[sflag:s18] =	ssyncadd.s32 $0xFFFFFFB0  }
0x4b: {  	[tilespmem:s17], [sflag:$0x1] =	stream.indirect.gather [hbm4b:s4+s20], $0x80, s3, s20, $0xb8;
	[tilespmem:$0x16900] =	vst v63  }
0x4c: {  	_ =	swait.ge [sflag:s21], $0x2800  }
0x4d: {  	[sflag:s21] =	ssyncset.done $0x0  }
0x4e: {  	[sflag:s21] =	ssyncadd.s32 $0xFFFFD800  }
0x4f: {  	[spmem:s2] =	stream.indirect.scatter.add.f32 [tilespmem:s17], [sflag:$0x2], $0x80, s19, s20, $0xb8;
	[tilespmem:$0x16900] =	vst v63  }
0x50: {  	_ =	swait.ge [sflag:s18], $0x2800  }
0x51: {  	s23 =	simm.s32 $0xA;
	s24 =	simm.s32 $0x14;
	[sflag:s18] =	ssyncset.done $0x0  }
.LBB2_4:
0x52: {  	s25 =	sadd.s32 s23, s16  }
0x53: {  	[sflag:s18] =	ssyncadd.s32 $0xFFFFD800;
	s26 =	smov.u32 s24;
	s28 =	sadd.s32 $0xA, s24  }
0x54: {  	[tilespmem:s3], [sflag:$0x2] =	stream.linear.gather [hbm4b:s25+s3], $0x50, $0x38;
	[tilespmem:$0x16900] =	vst v63  }
0x55: {  	p0 =	sne.s32 s24, $0x4D8;
	_ =	swait.ge [sflag:s18], $0x50  }
0x56: {  	[sflag:s18] =	ssyncset.done $0x0  }
0x57: {  	s24 =	sadd.s32 s23, s15;
	s23 =	smov.u32 s26;
	[sflag:s18] =	ssyncadd.s32 $0xFFFFFFB0  }
0x58: {  	[tilespmem:s19], [sflag:$0x2] =	stream.linear.gather [hbm4b:s24+s3], $0x50, $0x38;
	[tilespmem:$0x16900] =	vst v63  }
0x59: {  	_ =	swait.ge [sflag:s18], $0x50  }
0x5a: {  	[sflag:s18] =	ssyncset.done $0x0  }
0x5b: {  	[sflag:s18] =	ssyncadd.s32 $0xFFFFFFB0  }
0x5c: {  	[tilespmem:s17], [sflag:$0x1] =	stream.indirect.gather [hbm4b:s4+s20], $0x80, s3, s20, $0xb8;
	[tilespmem:$0x16900] =	vst v63  }
0x5d: {  	_ =	swait.ge [sflag:s21], $0x2800  }
.Ltmp1:
0x5e: {  	[sflag:s21] =	ssyncset.done $0x0;
	(pc) =	sbr.rel @p0 .LBB2_4-.Ltmp1, $4  }
0x5f: {  	[sflag:s21] =	ssyncadd.s32 $0xFFFFD800  }
0x60: {  	[spmem:s2] =	stream.indirect.scatter.add.f32 [tilespmem:s17], [sflag:$0x2], $0x80, s19, s20, $0xb8;
	[tilespmem:$0x16900] =	vst v63  }
0x61: {  	_ =	swait.ge [sflag:s18], $0x2800  }
0x62: {  	s24 =	smov.u32 s28;
	[sflag:s18] =	ssyncset.done $0x0  }
0x63: {  	s24 =	sadd.s32 s23, s16;
	[sflag:s18] =	ssyncadd.s32 $0xFFFFD800  }
0x64: {  	[tilespmem:s3], [sflag:$0x2] =	stream.linear.gather [hbm4b:s24+s3], $0x50, $0x38;
	[tilespmem:$0x16900] =	vst v63  }
0x65: {  	_ =	swait.ge [sflag:s18], $0x50  }
0x66: {  	[sflag:s18] =	ssyncset.done $0x0  }
0x67: {  	s29 =	sadd.s32 s23, s15;
	[sflag:s18] =	ssyncadd.s32 $0xFFFFFFB0  }
0x68: {  	[tilespmem:s19], [sflag:$0x2] =	stream.linear.gather [hbm4b:s29+s3], $0x50, $0x38;
	[tilespmem:$0x16900] =	vst v63  }
0x69: {  	_ =	swait.ge [sflag:s18], $0x50  }
0x6a: {  	[sflag:s18] =	ssyncset.done $0x0  }
0x6b: {  	[sflag:s18] =	ssyncadd.s32 $0xFFFFFFB0  }
0x6c: {  	[tilespmem:s17], [sflag:$0x1] =	stream.indirect.gather [hbm4b:s4+s20], $0x80, s3, s20, $0xb8;
	[tilespmem:$0x16900] =	vst v63  }
0x6d: {  	_ =	swait.ge [sflag:s21], $0x2800  }
0x6e: {  	[sflag:s21] =	ssyncset.done $0x0  }
0x6f: {  	[sflag:s21] =	ssyncadd.s32 $0xFFFFD800  }
0x70: {  	[spmem:s2] =	stream.indirect.scatter.add.f32 [tilespmem:s17], [sflag:$0x2], $0x80, s19, s20, $0xb8;
	[tilespmem:$0x16900] =	vst v63  }
0x71: {  	_ =	swait.ge [sflag:s18], $0x2800  }
0x72: {  	s30 =	sshll.u32 s0, $0x6;
	s22 =	sadd.s32 $0x1, s22;
	[sflag:s18] =	ssyncset.done $0x0  }
0x73: {  	s31 =	sshrl.u32 s6, $0x3;
	p0 =	sne.s32 s22, s7;
	[sflag:s18] =	ssyncadd.s32 $0xFFFFD800  }
.Ltmp2:
0x74: {  	s23 =	sor.u32 $0x1C02, s30;
	[bflag:$0x0] =	sbarrier.arrive $0xFFFF;
	(pc) =	sbr.rel @p0 .LBB2_1-.Ltmp2, $4  }
0x75: {  	[hbm:s5], [sflag:s23] =	dma.local [spmem:s31], $0x2800  }
0x76: {  	_ =	swait.ge [sflag:s18], $0x2800  }
0x77: {  	[sflag:s18] =	ssyncset.done $0x0  }
0x78: {  	[sflag:s18] =	ssyncadd.s32 $0xFFFFD800  }
0x79: {  	_ =	sfence.sel $0x180000  }
0x7a: {  	[bflag:$0x0] =	sbarrier.arrive $0xFFFF  }
0x7b: {  	p0 =	sne.s32 s0, $0x0;
	_ =	strace $0x9000004A  }
0x7c: {  	s0 =	sadd.s32 @!p0 $0x100000, s1;
	[bflag:$0x2] =	sbarrier.arrive $0xFFFF  }
0x7d: {  	[sflag:s0] =	ssyncadd.tile.s32 @!p0 $0x1;
	_ =	shalt  }
.Lfunc_end2:
_tile_overlayer_lowered:
.L_overlay_start_2:
0x7e: {  	(tag) =	ssettag $0x2  }
0x7f: {  	s0 =	rddreg [dreg:$0x0];
	s2 =	stileid.u32  }
0x80: {  	s1 =	rddreg [dreg:$0x1];
	p0 =	sne.s32 s2, $0x0  }
0x81: {  	s3 =	rddreg [dreg:$0x2];
	[bflag:$0x3] =	sbarrier.arrive $0xFFFF;
	s2 =	simm.s32 @!p0 $0x1C02  }
0x82: {  	[timem:s3], [sflag:s2] =	dma.local @!p0 [hbm:s0], s1  }
0x83: {  	s0 =	simm.s32 @!p0 $0x2  }
0x84: {  	_ =	swait.ge @!p0 [sflag:s0], s1  }
0x85: {  	s1 =	ssub.s32 @!p0 $0x0, s1;
	[sflag:s0] =	ssyncset.done @!p0 $0x0  }
0x86: {  	[sflag:s0] =	ssyncadd.s32 @!p0 s1  }
0x87: {  	[bflag:$0x3] =	sbarrier.arrive $0xFFFF  }
0x88: {  	_ =	shalt  }

// kernel: kernel.15.cloned.1.call-start
scs
__scs_entry_jumppad:
0x0: {  	(pc) =	sbr.rel $0x88, $3  }
0x1: {  	(tag) =	ssettag $0x0;
	lr =	simm.s32 $0x1  }
0x2: {  	[smem:$0x3F99] =	sst lr;
	_ =	strace $0xD0000000  }
0x3: {  	_ = 	snop  }
0x4: {  	_ = 	snop  }
0x5: {  	_ = 	snop  }
0x6: {  	_ = 	snop  }
0x7: {  	_ = 	snop  }
__scs_overlays_trampoline_lowered:
0x8: {  	[smem:$0x3FA8] =	sst s0  }
0x9: {  	[smem:$0x3FA9] =	sst s1  }
0xa: {  	[smem:$0x3FAA] =	sst s2  }
0xb: {  	[smem:$0x3FAB] =	sst s3  }
0xc: {  	[smem:$0x3FAC] =	sst s4  }
0xd: {  	[smem:$0x3FAD] =	sst s5  }
0xe: {  	[smem:$0x3FAE] =	sst s6  }
0xf: {  	[smem:$0x3FAF] =	sst s7  }
0x10: {  	[smem:$0x3FB0] =	sst s8  }
0x11: {  	[smem:$0x3FB1] =	sst s9;
	s0 =	simm.s32 @!p0 $0x0  }
0x12: {  	s1 =	sld [smem:$0x3F97];
	s0 =	simm.s32 @p0 $0x1  }
0x13: {  	[smem:$0x3FB2] =	sst s0;
	s0 =	simm.s32 @!p1 $0x0  }
0x14: {  	s2 =	sld [smem:$0x3F96];
	s0 =	simm.s32 @p1 $0x1  }
0x15: {  	[smem:$0x3FB3] =	sst s0;
	s0 =	simm.s32 @!p2 $0x0  }
0x16: {  	s3 =	sld [smem:$0x3FDB];
	s0 =	simm.s32 @p2 $0x1  }
0x17: {  	s4 =	simm.s32 $0x1BF5;
	[smem:$0x3FB5] =	sst s0  }
0x18: {  	s0 =	sld [smem:$0x3F98];
	_ =	swait.ge [sflag:s4], $0x0  }
0x19: {  	s7 =	sld [smem:$0x3F99]  }
0x1a: {  	s8 =	sadd.s32 $0xFFFFE003, lr  }
0x1b: {  	s9 =	sadd.s32 $0xFFFFFEF7, lr;
	s5 =	simm.s32 $0xFFFFFFFF;
	p2 =	slt.u32 s8, $0xFFFFF086  }
0x1c: {  	p1 =	slt.u32 s9, $0xF7A;
	s5 =	simm.s32 @!p2 $0x0  }
0x1d: {  	s5 =	simm.s32 @p1 $0x1;
	p0 =	seq.s32 s7, s2  }
0x1e: {  	s7 =	smul.u32 @!p0 $0xF7A, s2;
	p2 =	seq.s32 @!p0 s5, $0x0  }
0x1f: {  	s9 =	smul.u32 $0xF7A, s1;
	s8 =	simm.s32 @!p0 $0x1BF5;
	p2 =	por !p2, p0  }
0x20: {  	[sflag:s8] =	ssyncset.s32 @!p0 $0xFFFFF086;
	s6 =	sadd.s32 @!p0 s3, s7;
	s7 =	simm.s32 @!p0 $0x108  }
0x21: {  	s3 =	sadd.s32 s3, s9;
	s6 =	sadd.s32 @!p0 $0x88, s6;
	s7 =	simm.s32 @p2 $0x1082  }
0x22: {  	[simem:s7], [sflag:s8] =	dma.local @!p0 [hbm:s6], $0xF7A  }
0x23: {  	s9 =	sor.u32 $0xD0000000, s2;
	s6 =	simm.s32 $0x108;
	_ =	swait.ge @!p0 [sflag:s8], $0x0  }
0x24: {  	s3 =	sadd.s32 $0x88, s3;
	s6 =	simm.s32 @!p1 $0x1082;
	[sflag:s4] =	ssyncset.s32 $0xFFFFF086  }
0x25: {  	[simem:s6], [sflag:s4] =	dma.local [hbm:s3], $0xF7A  }
0x26: {  	[smem:$0x3F99] =	sst s1;
	(tag) =	ssettag s2;
	_ =	strace s9  }
0x27: {  	s1 =	sld [smem:$0x3FA9]  }
0x28: {  	s2 =	sld [smem:$0x3FAA]  }
0x29: {  	s4 =	sld [smem:$0x3FAC]  }
0x2a: {  	p0 =	seq.s32 s5, $0x0;
	s5 =	sld [smem:$0x3FAD]  }
0x2b: {  	s6 =	sld [smem:$0x3FAE]  }
0x2c: {  	s7 =	sld [smem:$0x3FAF]  }
0x2d: {  	s3 =	simm.s32 $0x108;
	s8 =	sld [smem:$0x3FB0]  }
0x2e: {  	s3 =	simm.s32 @!p0 $0x1082;
	s9 =	sld [smem:$0x3FB1]  }
0x2f: {  	lr =	sadd.s32 s0, s3;
	s0 =	sld [smem:$0x3FA8]  }
0x30: {  	s3 =	sld [smem:$0x3FAB]  }
0x31: {  	[smem:$0x3FB4] =	sst s10  }
0x32: {  	s10 =	sld [smem:$0x3FB2];
	_ =	sdelay $0x3  }
0x33: {  	p0 =	seq.s32 s10, $0x1;
	s10 =	sld [smem:$0x3FB4];
	_ =	sdelay $0x3  }
0x34: {  	[smem:$0x3FB4] =	sst s10  }
0x35: {  	s10 =	sld [smem:$0x3FB3];
	_ =	sdelay $0x3  }
0x36: {  	p1 =	seq.s32 s10, $0x1;
	s10 =	sld [smem:$0x3FB4];
	_ =	sdelay $0x3  }
0x37: {  	[smem:$0x3FB4] =	sst s10  }
0x38: {  	s10 =	sld [smem:$0x3FB5]  }
0x39: {  	_ = 	snop;
	(pc) =	sbr.ind lr, $3  }
0x3a: {  	_ = 	snop  }
0x3b: {  	_ = 	snop  }
0x3c: {  	p2 =	seq.s32 s10, $0x1;
	s10 =	sld [smem:$0x3FB4]  }
0x3d: {  	_ =	shalt  }
0x3e: {  	_ =	shalt  }
0x3f: {  	_ =	shalt  }
0x40: {  	_ =	shalt  }
0x41: {  	_ =	shalt  }
0x42: {  	_ =	shalt  }
0x43: {  	_ =	shalt  }
0x44: {  	_ =	shalt  }
0x45: {  	_ =	shalt  }
0x46: {  	_ =	shalt  }
0x47: {  	_ =	shalt  }
0x48: {  	_ =	shalt  }
0x49: {  	_ =	shalt  }
0x4a: {  	_ =	shalt  }
0x4b: {  	_ =	shalt  }
0x4c: {  	_ =	shalt  }
0x4d: {  	_ =	shalt  }
0x4e: {  	_ =	shalt  }
0x4f: {  	_ =	shalt  }
0x50: {  	_ =	shalt  }
0x51: {  	_ =	shalt  }
0x52: {  	_ =	shalt  }
0x53: {  	_ =	shalt  }
0x54: {  	_ =	shalt  }
0x55: {  	_ =	shalt  }
0x56: {  	_ =	shalt  }
0x57: {  	_ =	shalt  }
0x58: {  	_ =	shalt  }
0x59: {  	_ =	shalt  }
0x5a: {  	_ =	shalt  }
0x5b: {  	_ =	shalt  }
0x5c: {  	_ =	shalt  }
0x5d: {  	_ =	shalt  }
0x5e: {  	_ =	shalt  }
0x5f: {  	_ =	shalt  }
0x60: {  	_ =	shalt  }
0x61: {  	_ =	shalt  }
0x62: {  	_ =	shalt  }
0x63: {  	_ =	shalt  }
0x64: {  	_ =	shalt  }
0x65: {  	_ =	shalt  }
0x66: {  	_ =	shalt  }
0x67: {  	_ =	shalt  }
0x68: {  	_ =	shalt  }
0x69: {  	_ =	shalt  }
0x6a: {  	_ =	shalt  }
0x6b: {  	_ =	shalt  }
0x6c: {  	_ =	shalt  }
0x6d: {  	_ =	shalt  }
0x6e: {  	_ =	shalt  }
0x6f: {  	_ =	shalt  }
0x70: {  	_ =	shalt  }
0x71: {  	_ =	shalt  }
0x72: {  	_ =	shalt  }
0x73: {  	_ =	shalt  }
0x74: {  	_ =	shalt  }
0x75: {  	_ =	shalt  }
0x76: {  	_ =	shalt  }
0x77: {  	_ =	shalt  }
0x78: {  	_ =	shalt  }
0x79: {  	_ =	shalt  }
0x7a: {  	_ =	shalt  }
0x7b: {  	_ =	shalt  }
0x7c: {  	_ =	shalt  }
0x7d: {  	_ =	shalt  }
0x7e: {  	_ =	shalt  }
0x7f: {  	_ =	shalt  }
0x80: {  	_ =	shalt  }
0x81: {  	_ =	shalt  }
0x82: {  	_ =	shalt  }
0x83: {  	_ =	shalt  }
0x84: {  	_ =	shalt  }
0x85: {  	_ =	shalt  }
0x86: {  	_ =	shalt  }
0x87: {  	_ =	shalt  }
.Lfunc_end0:
.L_simem_size_0:
called_computation.2_lowered:
.L_overlay_start_0:
0x88: {  	s2 =	sld [smem:$0x3FD9]  }
0x89: {  	s3 =	sld [smem:$0x3FFE];
	_ =	sdelay $0x1  }
0x8a: {  	s1 =	srdreg.scid  }
0x8b: {  	s0 =	sand.u32 $0x1, s1  }
0x8c: {  	s16 =	sshll.u32 s0, $0xA;
	s2 =	sadd.s32 s3, s2  }
0x8d: {  	s2 =	sadd.s32 s2, s16  }
0x8e: {  	[smem:$0x3FC0] =	sst s2  }
0x8f: {  	_ = 	snop  }
0x90: {  	(tm) =	ssettm $0x1  }
0x91: {  	s17 =	sld [smem:$0x3FFB];
	_ =	sdelay $0x3  }
0x92: {  	_ =	strace s17  }
0x93: {  	s2 =	sld [smem:$0x3FFC];
	_ =	sdelay $0x3  }
0x94: {  	_ =	strace s2  }
0x95: {  	s2 =	sld [smem:$0x3FFD];
	_ =	sdelay $0x3  }
0x96: {  	_ =	strace s2  }
0x97: {  	_ =	strace $0x8FFFFFFF  }
0x98: {  	s18 =	sld [smem:$0x3FDB];
	_ =	sdelay $0x1  }
0x99: {  	s19 =	simm.s32 $_scs_section_size  }
0x9a: {  	s4 =	simm.s32 $_size__tile_overlayer_lowered;
	s5 =	simm.s32 $_tile_overlayer_lowered  }
0x9b: {  	s22 =	simm.s32 $0x1BFF;
	s21 =	sshll.u32 s5, $0x1;
	s2 =	sadd.s32 s19, s18  }
0x9c: {  	s6 =	simm.s32 $0x0;
	s20 =	sshll.u32 s4, $0x1;
	s4 =	sadd.s32 s21, s2  }
0x9d: {  	[timem:s6], [sflag:s22] =	dma.local [hbm:s4], s20  }
0x9e: {  	_ =	swait.ge [sflag:s22], s20  }
0x9f: {  	s3 =	ssub.s32 $0x0, s20;
	[sflag:s22] =	ssyncset.done $0x0  }
0xa0: {  	[sflag:s22] =	ssyncadd.s32 s3;
	_ =	sdelay $0x1  }
0xa1: {  	s23 =	simm.s32 $0x1B8B  }
0xa2: {  	_ =	swait.ge [sflag:s23], $0x1  }
0xa3: {  	[sflag:s23] =	ssyncset.done $0x0  }
0xa4: {  	s25 =	simm.s32 $0x1B8E;
	s24 =	sld [smem:$0x3FFE];
	[sflag:s23] =	ssyncadd.s32 $0xFFFFFFFF  }
0xa5: {  	s26 =	simm.s32 $execute0_lowered;
	[smem:$0x3FD2] =	sst s25  }
0xa6: {  	s4 =	sshll.u32 s26, $0x1;
	_ =	strace $0x8000004C;
	[dreg:$0x1] =	wrdreg $0xFFFFFFFF  }
0xa7: {  	s28 =	simm.s32 $_size_execute0_lowered;
	s2 =	sadd.s32 s2, s4;
	[dreg:$0x0] =	wrdreg $0x0  }
0xa8: {  	s4 =	sshll.u32 s28, $0x1;
	[dreg:$0x2] =	wrdreg s2  }
0xa9: {  	[dreg:$0x3] =	wrdreg s4  }
0xaa: {  	[dreg:$0x4] =	wrdreg $0xC0  }
0xab: {  	_ =	task [dreg:s6], $0x5FFFF  }
0xac: {  	[dreg:$0x1] =	wrdreg $0xFFFFFFFF  }
0xad: {  	[dreg:$0x0] =	wrdreg $0x60  }
0xae: {  	[dreg:$0x2] =	wrdreg s24  }
0xaf: {  	[dreg:$0x3] =	wrdreg $0x29000  }
0xb0: {  	[dreg:$0x4] =	wrdreg $0x9  }
0xb1: {  	_ =	task.clear_ibuf [dreg:s6], $0x5FFFF;
	_ =	strace $0x9000004C  }
0xb2: {  	s29 =	simm.s32 $0x9;
	_ =	strace $0x8000004E  }
0xb3: {  	_ =	swait.ge [sflag:s29], $0x1  }
0xb4: {  	[sflag:s29] =	ssyncadd.s32 $0xFFFFFFFF  }
0xb5: {  	_ =	strace $0x9000004E  }
0xb6: {  	_ =	sfence  }
0xb7: {  	s30 =	sld [smem:$0x0];
	_ =	sdelay $0x2  }
0xb8: {  	s31 =	sshll.u32 s1, $0xD;
	s1 =	sshrl.u32 s1, $0x2  }
0xb9: {  	s3 =	sand.u32 $0x4000, s31;
	s1 =	sadd.s32 s1, s30  }
0xba: {  	s0 =	sor.u32 s3, s0;
	s1 =	sshll.u32 s1, $0x11  }
0xbb: {  	s0 =	sor.u32 s1, s0  }
0xbc: {  	s0 =	sadd.s32 $0x8F2B, s0  }
0xbd: {  	[sflag:s0] =	ssyncadd.remote.s32 $0x1  }
0xbe: {  	_ =	sfence.sel $0xFFFF  }
0xbf: {  	[dreg:$0x0] =	wrdreg $0xFFFFFFFF;
	(pc) =	sbr.abs _section_cstart, $3  }
0xc0: {  	[dreg:$0x1] =	wrdreg $0xFFFFFFFF  }
0xc1: {  	_ =	task.clear_ibuf [dreg:s6], $0x2FFFF;
	_ =	strace $0x9FFFFFFF  }
0xc2: {  	(tm) =	ssettm $0x7FFFFFFF  }
0xc3: {  	_ =	shalt  }
tec
execute0_lowered:
.L_overlay_start_1:
0x0: {  	(tag) =	ssettag $0x1  }
0x1: {  	s5 =	rddreg [dreg:$0x0]  }
0x2: {  	s2 =	rddreg [dreg:$0x1]  }
0x3: {  	s0 =	srdreg.scid;
	s1 =	rddreg [dreg:$0x2]  }
0x4: {  	s3 =	simm.s32 $0x0;
	s17 =	simm.s32 $0x100;
	s6 =	sand.u32 $0x1, s0  }
0x5: {  	s18 =	simm.s32 $0x2;
	s0 =	stileid.u32;
	s4 =	smul.u32 $0x27100, s6  }
0x6: {  	s19 =	simm.s32 $0x80;
	s20 =	simm.s32 $0x50;
	s7 =	smul.u32 $0x2710, s0  }
0x7: {  	s21 =	simm.s32 $0x1;
	s22 =	simm.s32 $0x0;
	s8 =	smul.u32 $0x140000, s6  }
0x8: {  	[smem:$0x7FF] =	sst s3;
	s9 =	smul.u32 $0x14000, s0;
	s6 =	ssub.s32 $0x2, s6  }
0x9: {  	_ =	strace $0x8000004D;
	s26 =	smul.u32 $0x50000, s0;
	s29 =	sshrl.u32 s6, $0x1  }
0xa: {  	s7 =	sadd.s32 s7, s4;
	s4 =	sadd.s32 $0x16400, s5;
	s8 =	sadd.s32 s9, s8  }
0xb: {  	s30 =	ssub.s32 s6, s29;
	s31 =	sshrl.u32 s26, $0x2;
	s7 =	sshrl.u32 s7, $0x3  }
0xc: {  	s28 =	sshrl.u32 s8, $0x3;
	s6 =	sadd.s32 s31, s2;
	s16 =	sadd.s32 s7, s5  }
0xd: {  	s5 =	sadd.s32 s28, s5;
	s7 =	smax.u32 s30, $0x1;
	s8 =	sadd.s32 $0x2800, s6  }
0xe: {  	s9 =	sadd.s32 $0x5000, s6;
	s10 =	sadd.s32 $0x7800, s6;
	s11 =	sadd.s32 $0xA000, s6  }
0xf: {  	s12 =	sadd.s32 $0xC800, s6;
	s13 =	sadd.s32 $0xF000, s6;
	s14 =	sadd.s32 $0x11800, s6  }
0x10: {  	v0 =	vimm.f32 $0.0e+00;
	s5 =	sadd.s32 $0x3D600, s5;
	s15 =	sadd.s32 $0xC600, s16;
	s16 =	sadd.s32 $0x2800, s16  }
.LBB2_1:
0x11: {  	s23 =	simm.s32 $0x70;
	s24 =	simm.s32 $0x3C0  }
.LBB2_2:
0x12: {  	p0 =	sne.s32 s24, $0x9FC0;
	[tilespmem:s23+$0x100] =	vst v0  }
0x13: {  	[tilespmem:s23+$0x90] =	vst v0  }
0x14: {  	[tilespmem:s23+$0xA0] =	vst v0  }
.Ltmp0:
0x15: {  	[tilespmem:s23+$0xB0] =	vst v0;
	(pc) =	sbr.rel @p0 .LBB2_2-.Ltmp0, $4  }
0x16: {  	[tilespmem:s23+$0xC0] =	vst v0  }
0x17: {  	[tilespmem:s23+$0xD0] =	vst v0  }
0x18: {  	[tilespmem:s23+$0xE0] =	vst v0  }
0x19: {  	[tilespmem:s23+$0xF0] =	vst v0;
	s23 =	sshra.s32 s24, $0x2;
	s24 =	sadd.s32 $0x200, s24  }
0x1a: {  	[tilespmem:s23+$0x100] =	vst v0  }
0x1b: {  	[tilespmem:s23+$0x90] =	vst v0  }
0x1c: {  	[tilespmem:s23+$0xA0] =	vst v0  }
0x1d: {  	[tilespmem:s23+$0xB0] =	vst v0  }
0x1e: {  	[tilespmem:s23+$0xC0] =	vst v0  }
0x1f: {  	[tilespmem:s23+$0xD0] =	vst v0  }
0x20: {  	[tilespmem:s23+$0xE0] =	vst v0  }
0x21: {  	[tilespmem:s23+$0xF0] =	vst v0  }
0x22: {  	[spmem:s6] =	stream.linear.scatter [tilespmem:s17], [sflag:$0x2], $0x2800, $0x38;
	[tilespmem:$0x16900] =	vst v63  }
0x23: {  	_ =	swait.ge [sflag:s18], $0x2800  }
0x24: {  	[sflag:s18] =	ssyncset.done $0x0  }
0x25: {  	[sflag:s18] =	ssyncadd.s32 $0xFFFFD800  }
0x26: {  	[spmem:s8] =	stream.linear.scatter [tilespmem:s17], [sflag:$0x2], $0x2800, $0x38;
	[tilespmem:$0x16900] =	vst v63  }
0x27: {  	_ =	swait.ge [sflag:s18], $0x2800  }
0x28: {  	[sflag:s18] =	ssyncset.done $0x0  }
0x29: {  	[sflag:s18] =	ssyncadd.s32 $0xFFFFD800  }
0x2a: {  	[spmem:s9] =	stream.linear.scatter [tilespmem:s17], [sflag:$0x2], $0x2800, $0x38;
	[tilespmem:$0x16900] =	vst v63  }
0x2b: {  	_ =	swait.ge [sflag:s18], $0x2800  }
0x2c: {  	[sflag:s18] =	ssyncset.done $0x0  }
0x2d: {  	[sflag:s18] =	ssyncadd.s32 $0xFFFFD800  }
0x2e: {  	[spmem:s10] =	stream.linear.scatter [tilespmem:s17], [sflag:$0x2], $0x2800, $0x38;
	[tilespmem:$0x16900] =	vst v63  }
0x2f: {  	_ =	swait.ge [sflag:s18], $0x2800  }
0x30: {  	[sflag:s18] =	ssyncset.done $0x0  }
0x31: {  	[sflag:s18] =	ssyncadd.s32 $0xFFFFD800  }
0x32: {  	[spmem:s11] =	stream.linear.scatter [tilespmem:s17], [sflag:$0x2], $0x2800, $0x38;
	[tilespmem:$0x16900] =	vst v63  }
0x33: {  	_ =	swait.ge [sflag:s18], $0x2800  }
0x34: {  	[sflag:s18] =	ssyncset.done $0x0  }
0x35: {  	[sflag:s18] =	ssyncadd.s32 $0xFFFFD800  }
0x36: {  	[spmem:s12] =	stream.linear.scatter [tilespmem:s17], [sflag:$0x2], $0x2800, $0x38;
	[tilespmem:$0x16900] =	vst v63  }
0x37: {  	_ =	swait.ge [sflag:s18], $0x2800  }
0x38: {  	[sflag:s18] =	ssyncset.done $0x0  }
0x39: {  	[sflag:s18] =	ssyncadd.s32 $0xFFFFD800  }
0x3a: {  	[spmem:s13] =	stream.linear.scatter [tilespmem:s17], [sflag:$0x2], $0x2800, $0x38;
	[tilespmem:$0x16900] =	vst v63  }
0x3b: {  	_ =	swait.ge [sflag:s18], $0x2800  }
0x3c: {  	[sflag:s18] =	ssyncset.done $0x0  }
0x3d: {  	[sflag:s18] =	ssyncadd.s32 $0xFFFFD800  }
0x3e: {  	[spmem:s14] =	stream.linear.scatter [tilespmem:s17], [sflag:$0x2], $0x2800, $0x38;
	[tilespmem:$0x16900] =	vst v63  }
0x3f: {  	_ =	swait.ge [sflag:s18], $0x2800  }
0x40: {  	[sflag:s18] =	ssyncset.done $0x0  }
0x41: {  	[sflag:s18] =	ssyncadd.s32 $0xFFFFD800  }
0x42: {  	s30 =	sadd.s32 $0x0, s16;
	[bflag:$0x0] =	sbarrier.arrive $0xFFFF  }
0x43: {  	[tilespmem:s3], [sflag:$0x2] =	stream.linear.gather [hbm4b:s30+s3], $0x50, $0x38;
	[tilespmem:$0x16900] =	vst v63  }
0x44: {  	_ =	swait.ge [sflag:s18], $0x50  }
0x45: {  	[sflag:s18] =	ssyncset.done $0x0  }
0x46: {  	s31 =	sadd.s32 $0x0, s15;
	[sflag:s18] =	ssyncadd.s32 $0xFFFFFFB0  }
0x47: {  	[tilespmem:s19], [sflag:$0x2] =	stream.linear.gather [hbm4b:s31+s3], $0x50, $0x38;
	[tilespmem:$0x16900] =	vst v63  }
0x48: {  	_ =	swait.ge [sflag:s18], $0x50  }
0x49: {  	[sflag:s18] =	ssyncset.done $0x0  }
0x4a: {  	[sflag:s18] =	ssyncadd.s32 $0xFFFFFFB0  }
0x4b: {  	[tilespmem:s17], [sflag:$0x1] =	stream.indirect.gather [hbm4b:s4+s20], $0x80, s3, s20, $0xb8;
	[tilespmem:$0x16900] =	vst v63  }
0x4c: {  	_ =	swait.ge [sflag:s21], $0x2800  }
0x4d: {  	[sflag:s21] =	ssyncset.done $0x0  }
0x4e: {  	[sflag:s21] =	ssyncadd.s32 $0xFFFFD800  }
0x4f: {  	[spmem:s2] =	stream.indirect.scatter.add.f32 [tilespmem:s17], [sflag:$0x2], $0x80, s19, s20, $0xb8;
	[tilespmem:$0x16900] =	vst v63  }
0x50: {  	_ =	swait.ge [sflag:s18], $0x2800  }
0x51: {  	s23 =	simm.s32 $0xA;
	s24 =	simm.s32 $0x14;
	[sflag:s18] =	ssyncset.done $0x0  }
.LBB2_4:
0x52: {  	s25 =	sadd.s32 s23, s16  }
0x53: {  	[sflag:s18] =	ssyncadd.s32 $0xFFFFD800;
	s26 =	smov.u32 s24;
	s28 =	sadd.s32 $0xA, s24  }
0x54: {  	[tilespmem:s3], [sflag:$0x2] =	stream.linear.gather [hbm4b:s25+s3], $0x50, $0x38;
	[tilespmem:$0x16900] =	vst v63  }
0x55: {  	p0 =	sne.s32 s24, $0x4D8;
	_ =	swait.ge [sflag:s18], $0x50  }
0x56: {  	[sflag:s18] =	ssyncset.done $0x0  }
0x57: {  	s24 =	sadd.s32 s23, s15;
	s23 =	smov.u32 s26;
	[sflag:s18] =	ssyncadd.s32 $0xFFFFFFB0  }
0x58: {  	[tilespmem:s19], [sflag:$0x2] =	stream.linear.gather [hbm4b:s24+s3], $0x50, $0x38;
	[tilespmem:$0x16900] =	vst v63  }
0x59: {  	_ =	swait.ge [sflag:s18], $0x50  }
0x5a: {  	[sflag:s18] =	ssyncset.done $0x0  }
0x5b: {  	[sflag:s18] =	ssyncadd.s32 $0xFFFFFFB0  }
0x5c: {  	[tilespmem:s17], [sflag:$0x1] =	stream.indirect.gather [hbm4b:s4+s20], $0x80, s3, s20, $0xb8;
	[tilespmem:$0x16900] =	vst v63  }
0x5d: {  	_ =	swait.ge [sflag:s21], $0x2800  }
.Ltmp1:
0x5e: {  	[sflag:s21] =	ssyncset.done $0x0;
	(pc) =	sbr.rel @p0 .LBB2_4-.Ltmp1, $4  }
0x5f: {  	[sflag:s21] =	ssyncadd.s32 $0xFFFFD800  }
0x60: {  	[spmem:s2] =	stream.indirect.scatter.add.f32 [tilespmem:s17], [sflag:$0x2], $0x80, s19, s20, $0xb8;
	[tilespmem:$0x16900] =	vst v63  }
0x61: {  	_ =	swait.ge [sflag:s18], $0x2800  }
0x62: {  	s24 =	smov.u32 s28;
	[sflag:s18] =	ssyncset.done $0x0  }
0x63: {  	s24 =	sadd.s32 s23, s16;
	[sflag:s18] =	ssyncadd.s32 $0xFFFFD800  }
0x64: {  	[tilespmem:s3], [sflag:$0x2] =	stream.linear.gather [hbm4b:s24+s3], $0x50, $0x38;
	[tilespmem:$0x16900] =	vst v63  }
0x65: {  	_ =	swait.ge [sflag:s18], $0x50  }
0x66: {  	[sflag:s18] =	ssyncset.done $0x0  }
0x67: {  	s29 =	sadd.s32 s23, s15;
	[sflag:s18] =	ssyncadd.s32 $0xFFFFFFB0  }
0x68: {  	[tilespmem:s19], [sflag:$0x2] =	stream.linear.gather [hbm4b:s29+s3], $0x50, $0x38;
	[tilespmem:$0x16900] =	vst v63  }
0x69: {  	_ =	swait.ge [sflag:s18], $0x50  }
0x6a: {  	[sflag:s18] =	ssyncset.done $0x0  }
0x6b: {  	[sflag:s18] =	ssyncadd.s32 $0xFFFFFFB0  }
0x6c: {  	[tilespmem:s17], [sflag:$0x1] =	stream.indirect.gather [hbm4b:s4+s20], $0x80, s3, s20, $0xb8;
	[tilespmem:$0x16900] =	vst v63  }
0x6d: {  	_ =	swait.ge [sflag:s21], $0x2800  }
0x6e: {  	[sflag:s21] =	ssyncset.done $0x0  }
0x6f: {  	[sflag:s21] =	ssyncadd.s32 $0xFFFFD800  }
0x70: {  	[spmem:s2] =	stream.indirect.scatter.add.f32 [tilespmem:s17], [sflag:$0x2], $0x80, s19, s20, $0xb8;
	[tilespmem:$0x16900] =	vst v63  }
0x71: {  	_ =	swait.ge [sflag:s18], $0x2800  }
0x72: {  	s30 =	sshll.u32 s0, $0x6;
	s22 =	sadd.s32 $0x1, s22;
	[sflag:s18] =	ssyncset.done $0x0  }
0x73: {  	s31 =	sshrl.u32 s6, $0x3;
	p0 =	sne.s32 s22, s7;
	[sflag:s18] =	ssyncadd.s32 $0xFFFFD800  }
.Ltmp2:
0x74: {  	s23 =	sor.u32 $0x1C02, s30;
	[bflag:$0x0] =	sbarrier.arrive $0xFFFF;
	(pc) =	sbr.rel @p0 .LBB2_1-.Ltmp2, $4  }
0x75: {  	[hbm:s5], [sflag:s23] =	dma.local [spmem:s31], $0x2800  }
0x76: {  	_ =	swait.ge [sflag:s18], $0x2800  }
0x77: {  	[sflag:s18] =	ssyncset.done $0x0  }
0x78: {  	[sflag:s18] =	ssyncadd.s32 $0xFFFFD800  }
0x79: {  	_ =	sfence.sel $0x180000  }
0x7a: {  	[bflag:$0x0] =	sbarrier.arrive $0xFFFF  }
0x7b: {  	p0 =	sne.s32 s0, $0x0;
	_ =	strace $0x9000004D  }
0x7c: {  	s0 =	sadd.s32 @!p0 $0x100000, s1;
	[bflag:$0x2] =	sbarrier.arrive $0xFFFF  }
0x7d: {  	[sflag:s0] =	ssyncadd.tile.s32 @!p0 $0x1;
	_ =	shalt  }
.Lfunc_end2:
_tile_overlayer_lowered:
.L_overlay_start_2:
0x7e: {  	(tag) =	ssettag $0x2  }
0x7f: {  	s0 =	rddreg [dreg:$0x0];
	s2 =	stileid.u32  }
0x80: {  	s1 =	rddreg [dreg:$0x1];
	p0 =	sne.s32 s2, $0x0  }
0x81: {  	s3 =	rddreg [dreg:$0x2];
	[bflag:$0x3] =	sbarrier.arrive $0xFFFF;
	s2 =	simm.s32 @!p0 $0x1C02  }
0x82: {  	[timem:s3], [sflag:s2] =	dma.local @!p0 [hbm:s0], s1  }
0x83: {  	s0 =	simm.s32 @!p0 $0x2  }
0x84: {  	_ =	swait.ge @!p0 [sflag:s0], s1  }
0x85: {  	s1 =	ssub.s32 @!p0 $0x0, s1;
	[sflag:s0] =	ssyncset.done @!p0 $0x0  }
0x86: {  	[sflag:s0] =	ssyncadd.s32 @!p0 s1  }
0x87: {  	[bflag:$0x3] =	sbarrier.arrive $0xFFFF  }
0x88: {  	_ =	shalt  }

// kernel: kernel.9.cloned.1.call-start
scs
__scs_entry_jumppad:
0x0: {  	(pc) =	sbr.rel $0x88, $3  }
0x1: {  	(tag) =	ssettag $0x0;
	lr =	simm.s32 $0x1  }
0x2: {  	[smem:$0x3F99] =	sst lr;
	_ =	strace $0xD0000000  }
0x3: {  	_ = 	snop  }
0x4: {  	_ = 	snop  }
0x5: {  	_ = 	snop  }
0x6: {  	_ = 	snop  }
0x7: {  	_ = 	snop  }
__scs_overlays_trampoline_lowered:
0x8: {  	[smem:$0x3FA8] =	sst s0  }
0x9: {  	[smem:$0x3FA9] =	sst s1  }
0xa: {  	[smem:$0x3FAA] =	sst s2  }
0xb: {  	[smem:$0x3FAB] =	sst s3  }
0xc: {  	[smem:$0x3FAC] =	sst s4  }
0xd: {  	[smem:$0x3FAD] =	sst s5  }
0xe: {  	[smem:$0x3FAE] =	sst s6  }
0xf: {  	[smem:$0x3FAF] =	sst s7  }
0x10: {  	[smem:$0x3FB0] =	sst s8  }
0x11: {  	[smem:$0x3FB1] =	sst s9;
	s0 =	simm.s32 @!p0 $0x0  }
0x12: {  	s1 =	sld [smem:$0x3F97];
	s0 =	simm.s32 @p0 $0x1  }
0x13: {  	[smem:$0x3FB2] =	sst s0;
	s0 =	simm.s32 @!p1 $0x0  }
0x14: {  	s2 =	sld [smem:$0x3F96];
	s0 =	simm.s32 @p1 $0x1  }
0x15: {  	[smem:$0x3FB3] =	sst s0;
	s0 =	simm.s32 @!p2 $0x0  }
0x16: {  	s3 =	sld [smem:$0x3FDB];
	s0 =	simm.s32 @p2 $0x1  }
0x17: {  	s4 =	simm.s32 $0x1BF5;
	[smem:$0x3FB5] =	sst s0  }
0x18: {  	s0 =	sld [smem:$0x3F98];
	_ =	swait.ge [sflag:s4], $0x0  }
0x19: {  	s7 =	sld [smem:$0x3F99]  }
0x1a: {  	s8 =	sadd.s32 $0xFFFFE003, lr  }
0x1b: {  	s9 =	sadd.s32 $0xFFFFFEF7, lr;
	s5 =	simm.s32 $0xFFFFFFFF;
	p2 =	slt.u32 s8, $0xFFFFF086  }
0x1c: {  	p1 =	slt.u32 s9, $0xF7A;
	s5 =	simm.s32 @!p2 $0x0  }
0x1d: {  	s5 =	simm.s32 @p1 $0x1;
	p0 =	seq.s32 s7, s2  }
0x1e: {  	s7 =	smul.u32 @!p0 $0xF7A, s2;
	p2 =	seq.s32 @!p0 s5, $0x0  }
0x1f: {  	s9 =	smul.u32 $0xF7A, s1;
	s8 =	simm.s32 @!p0 $0x1BF5;
	p2 =	por !p2, p0  }
0x20: {  	[sflag:s8] =	ssyncset.s32 @!p0 $0xFFFFF086;
	s6 =	sadd.s32 @!p0 s3, s7;
	s7 =	simm.s32 @!p0 $0x108  }
0x21: {  	s3 =	sadd.s32 s3, s9;
	s6 =	sadd.s32 @!p0 $0x88, s6;
	s7 =	simm.s32 @p2 $0x1082  }
0x22: {  	[simem:s7], [sflag:s8] =	dma.local @!p0 [hbm:s6], $0xF7A  }
0x23: {  	s9 =	sor.u32 $0xD0000000, s2;
	s6 =	simm.s32 $0x108;
	_ =	swait.ge @!p0 [sflag:s8], $0x0  }
0x24: {  	s3 =	sadd.s32 $0x88, s3;
	s6 =	simm.s32 @!p1 $0x1082;
	[sflag:s4] =	ssyncset.s32 $0xFFFFF086  }
0x25: {  	[simem:s6], [sflag:s4] =	dma.local [hbm:s3], $0xF7A  }
0x26: {  	[smem:$0x3F99] =	sst s1;
	(tag) =	ssettag s2;
	_ =	strace s9  }
0x27: {  	s1 =	sld [smem:$0x3FA9]  }
0x28: {  	s2 =	sld [smem:$0x3FAA]  }
0x29: {  	s4 =	sld [smem:$0x3FAC]  }
0x2a: {  	p0 =	seq.s32 s5, $0x0;
	s5 =	sld [smem:$0x3FAD]  }
0x2b: {  	s6 =	sld [smem:$0x3FAE]  }
0x2c: {  	s7 =	sld [smem:$0x3FAF]  }
0x2d: {  	s3 =	simm.s32 $0x108;
	s8 =	sld [smem:$0x3FB0]  }
0x2e: {  	s3 =	simm.s32 @!p0 $0x1082;
	s9 =	sld [smem:$0x3FB1]  }
0x2f: {  	lr =	sadd.s32 s0, s3;
	s0 =	sld [smem:$0x3FA8]  }
0x30: {  	s3 =	sld [smem:$0x3FAB]  }
0x31: {  	[smem:$0x3FB4] =	sst s10  }
0x32: {  	s10 =	sld [smem:$0x3FB2];
	_ =	sdelay $0x3  }
0x33: {  	p0 =	seq.s32 s10, $0x1;
	s10 =	sld [smem:$0x3FB4];
	_ =	sdelay $0x3  }
0x34: {  	[smem:$0x3FB4] =	sst s10  }
0x35: {  	s10 =	sld [smem:$0x3FB3];
	_ =	sdelay $0x3  }
0x36: {  	p1 =	seq.s32 s10, $0x1;
	s10 =	sld [smem:$0x3FB4];
	_ =	sdelay $0x3  }
0x37: {  	[smem:$0x3FB4] =	sst s10  }
0x38: {  	s10 =	sld [smem:$0x3FB5]  }
0x39: {  	_ = 	snop;
	(pc) =	sbr.ind lr, $3  }
0x3a: {  	_ = 	snop  }
0x3b: {  	_ = 	snop  }
0x3c: {  	p2 =	seq.s32 s10, $0x1;
	s10 =	sld [smem:$0x3FB4]  }
0x3d: {  	_ =	shalt  }
0x3e: {  	_ =	shalt  }
0x3f: {  	_ =	shalt  }
0x40: {  	_ =	shalt  }
0x41: {  	_ =	shalt  }
0x42: {  	_ =	shalt  }
0x43: {  	_ =	shalt  }
0x44: {  	_ =	shalt  }
0x45: {  	_ =	shalt  }
0x46: {  	_ =	shalt  }
0x47: {  	_ =	shalt  }
0x48: {  	_ =	shalt  }
0x49: {  	_ =	shalt  }
0x4a: {  	_ =	shalt  }
0x4b: {  	_ =	shalt  }
0x4c: {  	_ =	shalt  }
0x4d: {  	_ =	shalt  }
0x4e: {  	_ =	shalt  }
0x4f: {  	_ =	shalt  }
0x50: {  	_ =	shalt  }
0x51: {  	_ =	shalt  }
0x52: {  	_ =	shalt  }
0x53: {  	_ =	shalt  }
0x54: {  	_ =	shalt  }
0x55: {  	_ =	shalt  }
0x56: {  	_ =	shalt  }
0x57: {  	_ =	shalt  }
0x58: {  	_ =	shalt  }
0x59: {  	_ =	shalt  }
0x5a: {  	_ =	shalt  }
0x5b: {  	_ =	shalt  }
0x5c: {  	_ =	shalt  }
0x5d: {  	_ =	shalt  }
0x5e: {  	_ =	shalt  }
0x5f: {  	_ =	shalt  }
0x60: {  	_ =	shalt  }
0x61: {  	_ =	shalt  }
0x62: {  	_ =	shalt  }
0x63: {  	_ =	shalt  }
0x64: {  	_ =	shalt  }
0x65: {  	_ =	shalt  }
0x66: {  	_ =	shalt  }
0x67: {  	_ =	shalt  }
0x68: {  	_ =	shalt  }
0x69: {  	_ =	shalt  }
0x6a: {  	_ =	shalt  }
0x6b: {  	_ =	shalt  }
0x6c: {  	_ =	shalt  }
0x6d: {  	_ =	shalt  }
0x6e: {  	_ =	shalt  }
0x6f: {  	_ =	shalt  }
0x70: {  	_ =	shalt  }
0x71: {  	_ =	shalt  }
0x72: {  	_ =	shalt  }
0x73: {  	_ =	shalt  }
0x74: {  	_ =	shalt  }
0x75: {  	_ =	shalt  }
0x76: {  	_ =	shalt  }
0x77: {  	_ =	shalt  }
0x78: {  	_ =	shalt  }
0x79: {  	_ =	shalt  }
0x7a: {  	_ =	shalt  }
0x7b: {  	_ =	shalt  }
0x7c: {  	_ =	shalt  }
0x7d: {  	_ =	shalt  }
0x7e: {  	_ =	shalt  }
0x7f: {  	_ =	shalt  }
0x80: {  	_ =	shalt  }
0x81: {  	_ =	shalt  }
0x82: {  	_ =	shalt  }
0x83: {  	_ =	shalt  }
0x84: {  	_ =	shalt  }
0x85: {  	_ =	shalt  }
0x86: {  	_ =	shalt  }
0x87: {  	_ =	shalt  }
.Lfunc_end0:
.L_simem_size_0:
called_computation_lowered:
.L_overlay_start_0:
0x88: {  	s2 =	sld [smem:$0x3FD9]  }
0x89: {  	s3 =	sld [smem:$0x3FFE];
	_ =	sdelay $0x1  }
0x8a: {  	s1 =	srdreg.scid  }
0x8b: {  	s0 =	sand.u32 $0x1, s1  }
0x8c: {  	s16 =	sshll.u32 s0, $0xA;
	s2 =	sadd.s32 s3, s2  }
0x8d: {  	s2 =	sadd.s32 s2, s16  }
0x8e: {  	[smem:$0x3FC0] =	sst s2  }
0x8f: {  	_ = 	snop  }
0x90: {  	(tm) =	ssettm $0x1  }
0x91: {  	s17 =	sld [smem:$0x3FFB];
	_ =	sdelay $0x3  }
0x92: {  	_ =	strace s17  }
0x93: {  	s2 =	sld [smem:$0x3FFC];
	_ =	sdelay $0x3  }
0x94: {  	_ =	strace s2  }
0x95: {  	s2 =	sld [smem:$0x3FFD];
	_ =	sdelay $0x3  }
0x96: {  	_ =	strace s2  }
0x97: {  	_ =	strace $0x8FFFFFFF  }
0x98: {  	s18 =	sld [smem:$0x3FDB];
	_ =	sdelay $0x1  }
0x99: {  	s19 =	simm.s32 $_scs_section_size  }
0x9a: {  	s4 =	simm.s32 $_size__tile_overlayer_lowered;
	s5 =	simm.s32 $_tile_overlayer_lowered  }
0x9b: {  	s22 =	simm.s32 $0x1BFF;
	s21 =	sshll.u32 s5, $0x1;
	s2 =	sadd.s32 s19, s18  }
0x9c: {  	s6 =	simm.s32 $0x0;
	s20 =	sshll.u32 s4, $0x1;
	s4 =	sadd.s32 s21, s2  }
0x9d: {  	[timem:s6], [sflag:s22] =	dma.local [hbm:s4], s20  }
0x9e: {  	_ =	swait.ge [sflag:s22], s20  }
0x9f: {  	s3 =	ssub.s32 $0x0, s20;
	[sflag:s22] =	ssyncset.done $0x0  }
0xa0: {  	[sflag:s22] =	ssyncadd.s32 s3;
	_ =	sdelay $0x1  }
0xa1: {  	s23 =	simm.s32 $0x1B8B  }
0xa2: {  	_ =	swait.ge [sflag:s23], $0x1  }
0xa3: {  	[sflag:s23] =	ssyncset.done $0x0  }
0xa4: {  	s25 =	simm.s32 $0x1B8E;
	s24 =	sld [smem:$0x3FFE];
	[sflag:s23] =	ssyncadd.s32 $0xFFFFFFFF  }
0xa5: {  	s26 =	simm.s32 $execute0_lowered;
	[smem:$0x3FD2] =	sst s25  }
0xa6: {  	s4 =	sshll.u32 s26, $0x1;
	_ =	strace $0x80000046;
	[dreg:$0x1] =	wrdreg $0xFFFFFFFF  }
0xa7: {  	s28 =	simm.s32 $_size_execute0_lowered;
	s2 =	sadd.s32 s2, s4;
	[dreg:$0x0] =	wrdreg $0x0  }
0xa8: {  	s4 =	sshll.u32 s28, $0x1;
	[dreg:$0x2] =	wrdreg s2  }
0xa9: {  	[dreg:$0x3] =	wrdreg s4  }
0xaa: {  	[dreg:$0x4] =	wrdreg $0xC0  }
0xab: {  	_ =	task [dreg:s6], $0x5FFFF  }
0xac: {  	[dreg:$0x1] =	wrdreg $0xFFFFFFFF  }
0xad: {  	[dreg:$0x0] =	wrdreg $0x60  }
0xae: {  	[dreg:$0x2] =	wrdreg s24  }
0xaf: {  	[dreg:$0x3] =	wrdreg $0x9  }
0xb0: {  	_ =	task.clear_ibuf [dreg:s6], $0x4FFFF;
	_ =	strace $0x90000046  }
0xb1: {  	s29 =	simm.s32 $0x9;
	_ =	strace $0x80000048  }
0xb2: {  	_ =	swait.ge [sflag:s29], $0x1  }
0xb3: {  	[sflag:s29] =	ssyncadd.s32 $0xFFFFFFFF  }
0xb4: {  	_ =	strace $0x90000048  }
0xb5: {  	_ =	sfence  }
0xb6: {  	s30 =	sld [smem:$0x0];
	_ =	sdelay $0x2  }
0xb7: {  	s31 =	sshll.u32 s1, $0xD;
	s1 =	sshrl.u32 s1, $0x2  }
0xb8: {  	s3 =	sand.u32 $0x4000, s31;
	s1 =	sadd.s32 s1, s30  }
0xb9: {  	s0 =	sor.u32 s3, s0;
	s1 =	sshll.u32 s1, $0x11  }
0xba: {  	s0 =	sor.u32 s1, s0  }
0xbb: {  	s0 =	sadd.s32 $0x8F2B, s0  }
0xbc: {  	[sflag:s0] =	ssyncadd.remote.s32 $0x1  }
0xbd: {  	_ =	sfence.sel $0xFFFF  }
0xbe: {  	[dreg:$0x0] =	wrdreg $0xFFFFFFFF;
	(pc) =	sbr.abs _section_cstart, $3  }
0xbf: {  	[dreg:$0x1] =	wrdreg $0xFFFFFFFF  }
0xc0: {  	_ =	task.clear_ibuf [dreg:s6], $0x2FFFF;
	_ =	strace $0x9FFFFFFF  }
0xc1: {  	(tm) =	ssettm $0x7FFFFFFF  }
tec
execute0_lowered:
.L_overlay_start_1:
0x0: {  	(tag) =	ssettag $0x1  }
0x1: {  	s0 =	srdreg.scid  }
0x2: {  	s3 =	sand.u32 $0x1, s0  }
0x3: {  	s4 =	rddreg [dreg:$0x0];
	s0 =	stileid.u32;
	s1 =	sshll.u32 s3, $0x4  }
0x4: {  	s2 =	simm.s32 $0x0;
	s8 =	simm.s32 $0x0;
	s5 =	sor.u32 s0, s1  }
0x5: {  	[smem:$0x7FF] =	sst s2;
	s3 =	ssub.s32 $0x2, s3;
	s6 =	smul.u32 $0x4E2, s5  }
0x6: {  	s1 =	rddreg [dreg:$0x1];
	s7 =	sshrl.u32 s3, $0x1;
	s5 =	smul.u32 $0x500, s5  }
0x7: {  	_ =	strace $0x80000047;
	s31 =	ssub.s32 s3, s7;
	s7 =	simm.s32 $0x2780  }
0x8: {  	s6 =	sadd.s32 s6, s4;
	s4 =	sadd.s32 s5, s4;
	s5 =	smax.u32 s31, $0x1  }
0x9: {  	v0 =	vimm.f32 $0.0e+00;
	v1 =	vimm.f32 $1.000000000e+00;
	s3 =	sadd.s32 $0xC600, s6;
	s4 =	sadd.s32 $0x16400, s4;
	s6 =	simm.s32 $0x1  }
.LBB2_1:
0xa: {  	s9 =	simm.s32 $0x40;
	s10 =	simm.s32 $0x0  }
.LBB2_2:
0xb: {  	p0 =	sne.s32 s9, $0x9FC0;
	[tilespmem:s10+$0x2780] =	vst v0;
	s10 =	smov.u32 s9;
	s9 =	sadd.s32 $0x40, s9  }
.Ltmp0:
0xc: {  	(pc) =	sbr.rel @p0 .LBB2_2-.Ltmp0, $2  }
0xd: {  	_ =	sdelay $0x2  }
0xe: {  	s10 =	sshra.s32 s10, $0x2  }
0xf: {  	[tilespmem:s10+$0x2780] =	vst v0;
	s9 =	simm.s32 $0x0  }
0x10: {  	[tilespmem:s9], [sflag:$0x1] =	stream.linear.gather [hbm4b:s3+s9], $0x2710, $0x38;
	[tilespmem:$0x4F80] =	vst v63  }
0x11: {  	_ =	swait.ge [sflag:s6], $0x2710  }
0x12: {  	[sflag:s6] =	ssyncset.done $0x0  }
0x13: {  	s10 =	simm.s32 $0x0;
	s9 =	simm.s32 $0x40;
	[sflag:s6] =	ssyncadd.s32 $0xFFFFD8F0  }
.LBB2_4:
0x14: {  	p0 =	sne.s32 s9, $0x9C00;
	v2 =	vld [tilespmem:s10+$0x0];
	_ =	sdelay $0x3  }
.Ltmp1:
0x15: {  	(pc) =	sbr.rel @p0 .LBB2_4-.Ltmp1, $2  }
0x16: {  	_ =	sdelay $0x2  }
0x17: {  	s10 =	sshra.s32 s9, $0x2;
	s9 =	sadd.s32 $0x40, s9;
	[tilespmem:v2+s7+$0x0] =	vst.idx.add.f32.msk $0xffff, v1  }
0x18: {  	v2 =	vld [tilespmem:s10+$0x0];
	_ =	sdelay $0x6  }
0x19: {  	s8 =	sadd.s32 $0x1, s8  }
0x1a: {  	p0 =	sne.s32 s8, s5;
	[tilespmem:v2+s7+$0x0] =	vst.idx.add.f32.msk $0xffff, v1  }
.Ltmp2:
0x1b: {  	[bflag:$0x0] =	sbarrier.arrive $0xFFFF;
	(pc) =	sbr.rel @p0 .LBB2_1-.Ltmp2, $4  }
0x1c: {  	[hbm4b:s4+s2] =	stream.linear.scatter [tilespmem:s7], [sflag:$0x1], $0x2800, $0x38;
	[tilespmem:$0x4F80] =	vst v63  }
0x1d: {  	_ =	swait.ge [sflag:s6], $0x2800  }
0x1e: {  	[sflag:s6] =	ssyncset.done $0x0  }
0x1f: {  	[sflag:s6] =	ssyncadd.s32 $0xFFFFD800  }
0x20: {  	_ =	sfence.sel $0x180000  }
0x21: {  	[bflag:$0x0] =	sbarrier.arrive $0xFFFF  }
0x22: {  	p0 =	sne.s32 s0, $0x0;
	_ =	strace $0x90000047  }
0x23: {  	s0 =	sadd.s32 @!p0 $0x100000, s1;
	[bflag:$0x2] =	sbarrier.arrive $0xFFFF  }
0x24: {  	[sflag:s0] =	ssyncadd.tile.s32 @!p0 $0x1;
	_ =	shalt  }
.Lfunc_end2:
_tile_overlayer_lowered:
.L_overlay_start_2:
0x25: {  	(tag) =	ssettag $0x2  }
0x26: {  	s0 =	rddreg [dreg:$0x0];
	s2 =	stileid.u32  }
0x27: {  	s1 =	rddreg [dreg:$0x1];
	p0 =	sne.s32 s2, $0x0  }
0x28: {  	s3 =	rddreg [dreg:$0x2];
	[bflag:$0x3] =	sbarrier.arrive $0xFFFF;
	s2 =	simm.s32 @!p0 $0x1C01  }
0x29: {  	[timem:s3], [sflag:s2] =	dma.local @!p0 [hbm:s0], s1  }
0x2a: {  	s0 =	simm.s32 @!p0 $0x1  }
0x2b: {  	_ =	swait.ge @!p0 [sflag:s0], s1  }
0x2c: {  	s1 =	ssub.s32 @!p0 $0x0, s1;
	[sflag:s0] =	ssyncset.done @!p0 $0x0  }
0x2d: {  	[sflag:s0] =	ssyncadd.s32 @!p0 s1  }
0x2e: {  	[bflag:$0x3] =	sbarrier.arrive $0xFFFF  }
0x2f: {  	_ =	shalt  }

</sc_bundles>
